<compile_context>
chip_gen: v7x
topology: tpu7x:2x2x1
jax: 0.10.2.dev20260603
libtpu: 0.0.44.dev20260713+nightly
codegen_flags: <defaults>
</compile_context>

<pallas_src>
import functools

import jax
import jax.numpy as jnp
from jax import lax
from jax.experimental import pallas as pl
from jax.experimental.pallas import tpu as pltpu
from jax.experimental.pallas import tpu_sc as plsc

_NUM_CORES = 2
_NUM_SUBCORES = 16
_NUM_WORKERS = _NUM_CORES * _NUM_SUBCORES
_LANES = 16

_DIM = 64
_UROWS = 256



@functools.cache
def _build_transpose(V):
  n_units = V // _UROWS
  rem = V - n_units * _UROWS
  iters = -(-n_units // _NUM_WORKERS)
  if iters % 2:
    iters += 1
  ubytes = _UROWS * _DIM
  mesh = plsc.VectorSubcoreMesh(core_axis_name="c", subcore_axis_name="s")

  @functools.partial(
      pl.kernel,
      out_type=jax.ShapeDtypeStruct((V * _DIM,), jnp.float32),
      mesh=mesh,
      scratch_types=[
          pltpu.VMEM((2, _DIM, _UROWS), jnp.float32),
          pltpu.VMEM((2, _UROWS * _DIM), jnp.float32),
          pltpu.VMEM((rem * _DIM,), jnp.float32) if rem else None,
          pltpu.SemaphoreType.DMA((2,)),
          pltpu.SemaphoreType.DMA((2,)),
      ],
      compiler_params=pltpu.CompilerParams(
          use_tc_tiling_on_sc=True, needs_layout_passes=False),
  )
  def k1(tabT_hbm, tail_hbm, lin_hbm, slab_v, obuf_v, tail_v, rsem, wsem):
    wid = lax.axis_index("s") * _NUM_CORES + lax.axis_index("c")
    iota = lax.iota(jnp.int32, _LANES)

    def unit_of(u):
      return wid + u * _NUM_WORKERS

    def issue_read(u, par):
      c = unit_of(u)

      @pl.when(c < n_units)
      def _():
        pltpu.async_copy(
            tabT_hbm.at[:, pl.ds(c * _UROWS, _UROWS)],
            slab_v.at[par], rsem.at[par])

    def wait_read(u, par):
      @pl.when(unit_of(u) < n_units)
      def _():
        pltpu.make_async_copy(
            tabT_hbm.at[:, pl.ds(0, _UROWS)],
            slab_v.at[par], rsem.at[par]
        ).wait()

    def wait_write(u, par):
      @pl.when(unit_of(u) < n_units)
      def _():
        pltpu.make_async_copy(
            obuf_v.at[par], lin_hbm.at[pl.ds(0, ubytes)], wsem.at[par]
        ).wait()

    def transpose_and_write(u, par):
      c = unit_of(u)

      @pl.when(c < n_units)
      def _():
        parv = jnp.full((_LANES,), par, jnp.int32)

        @plsc.parallel_loop(0, _UROWS * (_DIM // _LANES), unroll=8)
        def _tq(q):
          rowv = iota + ((q & 3) << 4)
          colv = (iota + (q >> 2)) & (_UROWS - 1)
          v = plsc.load_gather(slab_v.at[par], [rowv, colv])
          plsc.store_scatter(obuf_v, [parv, (colv << 6) + rowv], v)
        pltpu.async_copy(
            obuf_v.at[par], lin_hbm.at[pl.ds(c * ubytes, ubytes)],
            wsem.at[par])

    issue_read(0, 0)

    def body(p, carry):
      for off, par in ((0, 0), (1, 1)):
        u = 2 * p + off
        issue_read(u + 1, 1 - par)
        wait_read(u, par)

        @pl.when(u >= 2)
        def _():
          wait_write(u - 2, par)

        transpose_and_write(u, par)
      return carry

    lax.fori_loop(0, iters // 2, body, 0)
    wait_write(iters - 2, 0)
    wait_write(iters - 1, 1)

    if rem:
      @pl.when(wid == 0)
      def _tail():
        pltpu.sync_copy(tail_hbm, tail_v)
        pltpu.sync_copy(tail_v, lin_hbm.at[pl.ds(n_units * ubytes, rem * _DIM)])

  return k1



_GCHUNK = 128
_GNBUF = 4
_GLAG = 2


@functools.cache
def _build_gather(n_rows, n_cols, V):
  nbc = n_rows // _GCHUNK
  n_slabs = n_cols * nbc
  per_w = n_slabs // _NUM_WORKERS
  assert per_w * _NUM_WORKERS == n_slabs
  mesh = plsc.VectorSubcoreMesh(core_axis_name="c", subcore_axis_name="s")

  @functools.partial(
      pl.kernel,
      out_type=jax.ShapeDtypeStruct(
          (n_cols, _DIM // 8, nbc, 8, _GCHUNK), jnp.float32),
      mesh=mesh,
      scratch_types=[
          pltpu.VMEM((per_w, _GCHUNK), jnp.int32),
          pltpu.VMEM((_GNBUF, _GCHUNK, _DIM), jnp.float32),
          pltpu.VMEM((_GNBUF, _DIM // 8, 8, _GCHUNK), jnp.float32),
          pltpu.SemaphoreType.DMA((_GNBUF,)),
          pltpu.SemaphoreType.DMA((_GNBUF,)),
      ],
      compiler_params=pltpu.CompilerParams(
          use_tc_tiling_on_sc=False, needs_layout_passes=False),
  )
  def k2(idx_hbm, table_hbm, out_hbm, idx_v, rows_v, tbuf_v, gsem, wsem):
    wid = lax.axis_index("s") * _NUM_CORES + lax.axis_index("c")
    s_base = wid * per_w
    iota = lax.iota(jnp.int32, _LANES)
    pltpu.sync_copy(idx_hbm.at[wid], idx_v)

    def out_slice(kk):
      s = s_base + kk
      return out_hbm.at[s // nbc, :, lax.rem(s, nbc)]

    def step(c, carry):
      b = lax.rem(c, _GNBUF)

      @pl.when(c < per_w)
      def _issue_gather():
        @pl.when(c >= _GNBUF)
        def _():
          pltpu.make_async_copy(
              tbuf_v.at[b], out_slice(0), wsem.at[b]).wait()
        pltpu.async_copy(table_hbm.at[idx_v.at[c]], rows_v.at[b], gsem.at[b])

      @pl.when(c >= _GLAG)
      def _retire():
        cc = c - _GLAG
        bb = lax.rem(cc, _GNBUF)
        pltpu.make_async_copy(
            table_hbm.at[idx_v.at[cc]], rows_v.at[bb], gsem.at[bb]
        ).wait()
        bvec = jnp.full((_LANES,), 0, jnp.int32) + bb

        @plsc.parallel_loop(0, _GCHUNK * (_DIM // _LANES), unroll=8)
        def _tq(q):
          rowv = iota + ((q & 3) << 4)
          colv = (iota + (q >> 2)) & (_GCHUNK - 1)
          v = plsc.load_gather(rows_v, [bvec, colv, rowv])
          plsc.store_scatter(
              tbuf_v, [bvec, rowv >> 3, rowv & 7, colv], v)

        pltpu.async_copy(tbuf_v.at[bb], out_slice(cc), wsem.at[bb])

      return carry

    lax.fori_loop(0, per_w + _GLAG, step, 0)

    for b in range(_GNBUF):
      pltpu.make_async_copy(tbuf_v.at[b], out_slice(0), wsem.at[b]).wait()

  return k2


def kernel(token_ids, embeddings):
  n_rows, n_cols = token_ids.shape
  V = embeddings.shape[0]
  n_units = V // _UROWS
  tail = embeddings[n_units * _UROWS:, :].reshape(-1)
  tab_lin = _build_transpose(V)(embeddings.T, tail).reshape(V, _DIM)
  idx = token_ids.astype(jnp.int32).T.reshape(
      _NUM_WORKERS, (n_cols * n_rows) // (_NUM_WORKERS * _GCHUNK), _GCHUNK)
  out5 = _build_gather(n_rows, n_cols, V)(idx, tab_lin)
  return out5.transpose(2, 4, 0, 1, 3).reshape(n_rows, n_cols, _DIM)

# --- scband reference (transcript-rebuilt; emitter-appended) ---
"""Pipeline reference for scband-embedding-52003464020197 (READ-ONLY COPY).

The authoritative reference and input builder live on the scoring server;
editing this copy changes nothing except your own understanding.
"""

import jax, jax.numpy as jnp
import numpy as np

NUM_EMBEDDINGS = 1000000
EMBEDDING_DIM = 64

def setup_inputs(seed: int = 0) -> dict:
    key = jax.random.key(seed)
    k_idx, k_tab = jax.random.split(key)
    token_ids = jax.random.randint(k_idx, (16384, 26), 0, NUM_EMBEDDINGS, dtype=jnp.int64 if jax.config.jax_enable_x64 else jnp.int32)
    # trunc_normal_(mean=0, std=1, a=-3, b=3)
    embeddings = jax.random.truncated_normal(k_tab, -3.0, 3.0, (NUM_EMBEDDINGS, EMBEDDING_DIM), dtype=jnp.float32)
    return {"token_ids": token_ids, "embeddings": embeddings}

def reference(token_ids, embeddings):
    # Faithful to: self.embeddings[token_ids.long()]
    return jnp.take(embeddings, token_ids.astype(jnp.int32), axis=0)

if __name__ == "__main__":
    import jax
    _d = setup_inputs()
    print(jax.jit(kernel)(*tuple(_d.values())))

</pallas_src>

<mosaic_0001>
#map = affine_map<(d0, d1) -> (0, 0)>
#map1 = affine_map<(d0, d1) -> (0)>
module attributes {stable_mosaic.version = 14 : i64} {
  func.func @k1(%arg0: i32, %arg1: i32, %arg2: memref<64x1000000xf32, #tpu.memory_space<hbm>>, %arg3: memref<4096xf32, #tpu.memory_space<hbm>>, %arg4: memref<64000000xf32, #tpu.memory_space<hbm>>, %arg5: memref<2x64x256xf32, #tpu.memory_space<vmem>>, %arg6: memref<2x16384xf32, #tpu.memory_space<vmem>>, %arg7: memref<4096xf32, #tpu.memory_space<vmem>>, %arg8: memref<2x!tpu.dma_semaphore, #tpu.memory_space<semaphore_mem>>, %arg9: memref<2x!tpu.dma_semaphore, #tpu.memory_space<semaphore_mem>>) attributes {dimension_semantics = [#tpu.dimension_semantics<core_parallel>, #tpu.dimension_semantics<subcore_parallel>], iteration_bounds = array<i64: 2, 16>, scalar_prefetch = 0 : i64, scratch_operands = 5 : i64, tpu.core_type = #tpu.core_type<sc_vector_subcore>, window_params = [{transform_indices = #map}, {transform_indices = #map1}, {transform_indices = #map1}]} {
    %mul3A = arith.constant 2 : i32
    %mul3A_0 = arith.muli %arg1, %mul3A : i32
    %add3A = arith.addi %mul3A_0, %arg0 : i32
    %iota3A = tpu.iota {dimensions = array<i32: 0>} : vector<16xi32>
    %add3A_1 = arith.constant 0 : i32
    %add3A_2 = arith.addi %add3A, %add3A_1 : i32
    %lt3A = arith.constant 3906 : i32
    %lt3A_3 = arith.cmpi slt, %add3A_2, %lt3A : i32
    %convert_element_type3A = arith.extui %lt3A_3 : i1 to i32
    %cond3A = arith.constant 0 : i32
    %cond3A_4 = arith.cmpi ne, %convert_element_type3A, %cond3A : i32
    scf.if %cond3A_4 {
      %mul3A_28 = arith.constant 256 : i32
      %mul3A_29 = arith.muli %add3A_2, %mul3A_28 : i32
      %dma_start3A = arith.constant 0 : i32
      %dma_start3A_30 = arith.constant 0 : i32
      %dma_start3A_31 = arith.constant 0 : i32
      %dma_start3A_32 = arith.constant 0 : i32
      %dma_start3A_33 = tpu.memref_slice %arg5[%dma_start3A, %dma_start3A_31, %dma_start3A_32] : memref<2x64x256xf32, #tpu.memory_space<vmem>> -> memref<1x64x256xf32, #tpu.memory_space<vmem>>
      %dma_start3A_34 = tpu.memref_squeeze %dma_start3A_33 : memref<1x64x256xf32, #tpu.memory_space<vmem>> -> memref<64x256xf32, #tpu.memory_space<vmem>>
      %dma_start3A_35 = arith.constant 0 : i32
      %dma_start3A_36 = tpu.memref_slice %arg2[%dma_start3A_35, %mul3A_29] : memref<64x1000000xf32, #tpu.memory_space<hbm>> -> memref<64x256xf32, #tpu.memory_space<hbm>>
      %dma_start3A_37 = tpu.memref_slice %arg8[%dma_start3A_30] : memref<2x!tpu.dma_semaphore, #tpu.memory_space<semaphore_mem>> -> memref<1x!tpu.dma_semaphore, #tpu.memory_space<semaphore_mem>>
      %dma_start3A_38 = tpu.memref_squeeze %dma_start3A_37 : memref<1x!tpu.dma_semaphore, #tpu.memory_space<semaphore_mem>> -> memref<!tpu.dma_semaphore, #tpu.memory_space<semaphore_mem>>
      %dma_start3A_39 = arith.constant 0 : i32
      %dma_start3A_40 = arith.constant 0 : i32
      %dma_start3A_41 = tpu.memref_slice %arg5[%dma_start3A, %dma_start3A_39, %dma_start3A_40] : memref<2x64x256xf32, #tpu.memory_space<vmem>> -> memref<1x64x256xf32, #tpu.memory_space<vmem>>
      %dma_start3A_42 = tpu.memref_squeeze %dma_start3A_41 : memref<1x64x256xf32, #tpu.memory_space<vmem>> -> memref<64x256xf32, #tpu.memory_space<vmem>>
      %dma_start3A_43 = arith.constant 0 : i32
      %dma_start3A_44 = tpu.memref_slice %arg2[%dma_start3A_43, %mul3A_29] : memref<64x1000000xf32, #tpu.memory_space<hbm>> -> memref<64x256xf32, #tpu.memory_space<hbm>>
      tpu.enqueue_dma source(%dma_start3A_44 : memref<64x256xf32, #tpu.memory_space<hbm>>) target(%dma_start3A_42 : memref<64x256xf32, #tpu.memory_space<vmem>>) target_semaphore(%dma_start3A_38 : memref<!tpu.dma_semaphore, #tpu.memory_space<semaphore_mem>>)
    } else {
    }
    %scan3A = arith.constant 0 : i32
    %scan3A_5 = arith.constant 0 : i32
    %scan3A_6 = arith.constant 62 : i32
    %scan3A_7 = arith.addi %scan3A_5, %scan3A_6 : i32
    %scan3A_8 = arith.constant 1 : i32
    scf.for %scan3A_28 = %scan3A_5 to %scan3A_7 step %scan3A_8  : i32 {
      %mul3A_29 = arith.constant 2 : i32
      %mul3A_30 = arith.muli %mul3A_29, %scan3A_28 : i32
      %add3A_31 = arith.constant 0 : i32
      %add3A_32 = arith.addi %mul3A_30, %add3A_31 : i32
      %add3A_33 = arith.constant 1 : i32
      %add3A_34 = arith.addi %add3A_32, %add3A_33 : i32
      %mul3A_35 = arith.constant 32 : i32
      %mul3A_36 = arith.muli %add3A_34, %mul3A_35 : i32
      %add3A_37 = arith.addi %add3A, %mul3A_36 : i32
      %lt3A_38 = arith.constant 3906 : i32
      %lt3A_39 = arith.cmpi slt, %add3A_37, %lt3A_38 : i32
      %convert_element_type3A_40 = arith.extui %lt3A_39 : i1 to i32
      %cond3A_41 = arith.constant 0 : i32
      %cond3A_42 = arith.cmpi ne, %convert_element_type3A_40, %cond3A_41 : i32
      scf.if %cond3A_42 {
        %mul3A_98 = arith.constant 256 : i32
        %mul3A_99 = arith.muli %add3A_37, %mul3A_98 : i32
        %dma_start3A = arith.constant 1 : i32
        %dma_start3A_100 = arith.constant 1 : i32
        %dma_start3A_101 = arith.constant 0 : i32
        %dma_start3A_102 = arith.constant 0 : i32
        %dma_start3A_103 = tpu.memref_slice %arg5[%dma_start3A, %dma_start3A_101, %dma_start3A_102] : memref<2x64x256xf32, #tpu.memory_space<vmem>> -> memref<1x64x256xf32, #tpu.memory_space<vmem>>
        %dma_start3A_104 = tpu.memref_squeeze %dma_start3A_103 : memref<1x64x256xf32, #tpu.memory_space<vmem>> -> memref<64x256xf32, #tpu.memory_space<vmem>>
        %dma_start3A_105 = arith.constant 0 : i32
        %dma_start3A_106 = tpu.memref_slice %arg2[%dma_start3A_105, %mul3A_99] : memref<64x1000000xf32, #tpu.memory_space<hbm>> -> memref<64x256xf32, #tpu.memory_space<hbm>>
        %dma_start3A_107 = tpu.memref_slice %arg8[%dma_start3A_100] : memref<2x!tpu.dma_semaphore, #tpu.memory_space<semaphore_mem>> -> memref<1x!tpu.dma_semaphore, #tpu.memory_space<semaphore_mem>>
        %dma_start3A_108 = tpu.memref_squeeze %dma_start3A_107 : memref<1x!tpu.dma_semaphore, #tpu.memory_space<semaphore_mem>> -> memref<!tpu.dma_semaphore, #tpu.memory_space<semaphore_mem>>
        %dma_start3A_109 = arith.constant 0 : i32
        %dma_start3A_110 = arith.constant 0 : i32
        %dma_start3A_111 = tpu.memref_slice %arg5[%dma_start3A, %dma_start3A_109, %dma_start3A_110] : memref<2x64x256xf32, #tpu.memory_space<vmem>> -> memref<1x64x256xf32, #tpu.memory_space<vmem>>
        %dma_start3A_112 = tpu.memref_squeeze %dma_start3A_111 : memref<1x64x256xf32, #tpu.memory_space<vmem>> -> memref<64x256xf32, #tpu.memory_space<vmem>>
        %dma_start3A_113 = arith.constant 0 : i32
        %dma_start3A_114 = tpu.memref_slice %arg2[%dma_start3A_113, %mul3A_99] : memref<64x1000000xf32, #tpu.memory_space<hbm>> -> memref<64x256xf32, #tpu.memory_space<hbm>>
        tpu.enqueue_dma source(%dma_start3A_114 : memref<64x256xf32, #tpu.memory_space<hbm>>) target(%dma_start3A_112 : memref<64x256xf32, #tpu.memory_space<vmem>>) target_semaphore(%dma_start3A_108 : memref<!tpu.dma_semaphore, #tpu.memory_space<semaphore_mem>>)
      } else {
      }
      %mul3A_43 = arith.constant 32 : i32
      %mul3A_44 = arith.muli %add3A_32, %mul3A_43 : i32
      %add3A_45 = arith.addi %add3A, %mul3A_44 : i32
      %lt3A_46 = arith.constant 3906 : i32
      %lt3A_47 = arith.cmpi slt, %add3A_45, %lt3A_46 : i32
      %convert_element_type3A_48 = arith.extui %lt3A_47 : i1 to i32
      %cond3A_49 = arith.constant 0 : i32
      %cond3A_50 = arith.cmpi ne, %convert_element_type3A_48, %cond3A_49 : i32
      scf.if %cond3A_50 {
        %dma_wait3A = arith.constant 0 : i32
        %dma_wait3A_98 = arith.constant 0 : i32
        %dma_wait3A_99 = arith.constant 0 : i32
        %dma_wait3A_100 = arith.constant 0 : i32
        %dma_wait3A_101 = tpu.memref_slice %arg5[%dma_wait3A, %dma_wait3A_99, %dma_wait3A_100] : memref<2x64x256xf32, #tpu.memory_space<vmem>> -> memref<1x64x256xf32, #tpu.memory_space<vmem>>
        %dma_wait3A_102 = tpu.memref_squeeze %dma_wait3A_101 : memref<1x64x256xf32, #tpu.memory_space<vmem>> -> memref<64x256xf32, #tpu.memory_space<vmem>>
        %dma_wait3A_103 = arith.constant 0 : i32
        %dma_wait3A_104 = arith.constant 0 : i32
        %dma_wait3A_105 = tpu.memref_slice %arg2[%dma_wait3A_103, %dma_wait3A_104] : memref<64x1000000xf32, #tpu.memory_space<hbm>> -> memref<64x256xf32, #tpu.memory_space<hbm>>
        %dma_wait3A_106 = tpu.memref_slice %arg8[%dma_wait3A_98] : memref<2x!tpu.dma_semaphore, #tpu.memory_space<semaphore_mem>> -> memref<1x!tpu.dma_semaphore, #tpu.memory_space<semaphore_mem>>
        %dma_wait3A_107 = tpu.memref_squeeze %dma_wait3A_106 : memref<1x!tpu.dma_semaphore, #tpu.memory_space<semaphore_mem>> -> memref<!tpu.dma_semaphore, #tpu.memory_space<semaphore_mem>>
        %dma_wait3A_108 = arith.constant 0 : i32
        %dma_wait3A_109 = arith.constant 0 : i32
        %dma_wait3A_110 = tpu.memref_slice %arg5[%dma_wait3A, %dma_wait3A_108, %dma_wait3A_109] : memref<2x64x256xf32, #tpu.memory_space<vmem>> -> memref<1x64x256xf32, #tpu.memory_space<vmem>>
        %dma_wait3A_111 = tpu.memref_squeeze %dma_wait3A_110 : memref<1x64x256xf32, #tpu.memory_space<vmem>> -> memref<64x256xf32, #tpu.memory_space<vmem>>
        %dma_wait3A_112 = arith.constant 0 : i32
        %dma_wait3A_113 = arith.constant 0 : i32
        %dma_wait3A_114 = tpu.memref_slice %arg2[%dma_wait3A_112, %dma_wait3A_113] : memref<64x1000000xf32, #tpu.memory_space<hbm>> -> memref<64x256xf32, #tpu.memory_space<hbm>>
        tpu.wait_dma2 semaphore(%dma_wait3A_107 : memref<!tpu.dma_semaphore, #tpu.memory_space<semaphore_mem>>) src(%dma_wait3A_114 : memref<64x256xf32, #tpu.memory_space<hbm>>) dst(%dma_wait3A_111 : memref<64x256xf32, #tpu.memory_space<vmem>>)
      } else {
      }
      %ge3A = arith.constant 2 : i32
      %ge3A_51 = arith.cmpi sge, %add3A_32, %ge3A : i32
      %convert_element_type3A_52 = arith.extui %ge3A_51 : i1 to i32
      %cond3A_53 = arith.constant 0 : i32
      %cond3A_54 = arith.cmpi ne, %convert_element_type3A_52, %cond3A_53 : i32
      scf.if %cond3A_54 {
        %sub3A = arith.constant 2 : i32
        %sub3A_98 = arith.subi %add3A_32, %sub3A : i32
        %mul3A_99 = arith.constant 32 : i32
        %mul3A_100 = arith.muli %sub3A_98, %mul3A_99 : i32
        %add3A_101 = arith.addi %add3A, %mul3A_100 : i32
        %lt3A_102 = arith.constant 3906 : i32
        %lt3A_103 = arith.cmpi slt, %add3A_101, %lt3A_102 : i32
        %convert_element_type3A_104 = arith.extui %lt3A_103 : i1 to i32
        %cond3A_105 = arith.constant 0 : i32
        %cond3A_106 = arith.cmpi ne, %convert_element_type3A_104, %cond3A_105 : i32
        scf.if %cond3A_106 {
          %dma_wait3A = arith.constant 0 : i32
          %dma_wait3A_107 = arith.constant 0 : i32
          %dma_wait3A_108 = arith.constant 0 : i32
          %dma_wait3A_109 = tpu.memref_slice %arg6[%dma_wait3A, %dma_wait3A_108] : memref<2x16384xf32, #tpu.memory_space<vmem>> -> memref<1x16384xf32, #tpu.memory_space<vmem>>
          %dma_wait3A_110 = tpu.memref_squeeze %dma_wait3A_109 : memref<1x16384xf32, #tpu.memory_space<vmem>> -> memref<16384xf32, #tpu.memory_space<vmem>>
          %dma_wait3A_111 = arith.constant 0 : i32
          %dma_wait3A_112 = tpu.memref_slice %arg4[%dma_wait3A_111] : memref<64000000xf32, #tpu.memory_space<hbm>> -> memref<16384xf32, #tpu.memory_space<hbm>>
          %dma_wait3A_113 = tpu.memref_slice %arg9[%dma_wait3A_107] : memref<2x!tpu.dma_semaphore, #tpu.memory_space<semaphore_mem>> -> memref<1x!tpu.dma_semaphore, #tpu.memory_space<semaphore_mem>>
          %dma_wait3A_114 = tpu.memref_squeeze %dma_wait3A_113 : memref<1x!tpu.dma_semaphore, #tpu.memory_space<semaphore_mem>> -> memref<!tpu.dma_semaphore, #tpu.memory_space<semaphore_mem>>
          %dma_wait3A_115 = arith.constant 0 : i32
          %dma_wait3A_116 = tpu.memref_slice %arg4[%dma_wait3A_115] : memref<64000000xf32, #tpu.memory_space<hbm>> -> memref<16384xf32, #tpu.memory_space<hbm>>
          %dma_wait3A_117 = arith.constant 0 : i32
          %dma_wait3A_118 = tpu.memref_slice %arg6[%dma_wait3A, %dma_wait3A_117] : memref<2x16384xf32, #tpu.memory_space<vmem>> -> memref<1x16384xf32, #tpu.memory_space<vmem>>
          %dma_wait3A_119 = tpu.memref_squeeze %dma_wait3A_118 : memref<1x16384xf32, #tpu.memory_space<vmem>> -> memref<16384xf32, #tpu.memory_space<vmem>>
          tpu.wait_dma2 semaphore(%dma_wait3A_114 : memref<!tpu.dma_semaphore, #tpu.memory_space<semaphore_mem>>) src(%dma_wait3A_119 : memref<16384xf32, #tpu.memory_space<vmem>>) dst(%dma_wait3A_116 : memref<16384xf32, #tpu.memory_space<hbm>>)
        } else {
        }
      } else {
      }
      %mul3A_55 = arith.constant 32 : i32
      %mul3A_56 = arith.muli %add3A_32, %mul3A_55 : i32
      %add3A_57 = arith.addi %add3A, %mul3A_56 : i32
      %lt3A_58 = arith.constant 3906 : i32
      %lt3A_59 = arith.cmpi slt, %add3A_57, %lt3A_58 : i32
      %convert_element_type3A_60 = arith.extui %lt3A_59 : i1 to i32
      %cond3A_61 = arith.constant 0 : i32
      %cond3A_62 = arith.cmpi ne, %convert_element_type3A_60, %cond3A_61 : i32
      scf.if %cond3A_62 {
        %broadcast_in_dim3A = arith.constant 0 : i32
        %broadcast_in_dim3A_98 = vector.broadcast %broadcast_in_dim3A : i32 to vector<16xi32>
        %parallel_loop3A = arith.constant 0 : i32
        %parallel_loop3A_99 = arith.constant 1024 : i32
        %parallel_loop3A_100 = arith.constant 1 : i32
        scf.for %parallel_loop3A_114 = %parallel_loop3A to %parallel_loop3A_99 step %parallel_loop3A_100  : i32 {
          %parallel_loop3A_115 = arith.constant 3 : i32
          %parallel_loop3A_116 = arith.andi %parallel_loop3A_114, %parallel_loop3A_115 : i32
          %parallel_loop3A_117 = arith.constant 4 : i32
          %parallel_loop3A_118 = arith.shli %parallel_loop3A_116, %parallel_loop3A_117 : i32
          %parallel_loop3A_119 = vector.broadcast %parallel_loop3A_118 : i32 to vector<16xi32>
          %parallel_loop3A_120 = arith.addi %iota3A, %parallel_loop3A_119 : vector<16xi32>
          %parallel_loop3A_121 = arith.constant 2 : i32
          %parallel_loop3A_122 = arith.shrsi %parallel_loop3A_114, %parallel_loop3A_121 : i32
          %parallel_loop3A_123 = vector.broadcast %parallel_loop3A_122 : i32 to vector<16xi32>
          %parallel_loop3A_124 = arith.addi %iota3A, %parallel_loop3A_123 : vector<16xi32>
          %parallel_loop3A_125 = arith.constant 255 : i32
          %parallel_loop3A_126 = vector.broadcast %parallel_loop3A_125 : i32 to vector<16xi32>
          %parallel_loop3A_127 = arith.andi %parallel_loop3A_124, %parallel_loop3A_126 : vector<16xi32>
          %parallel_loop3A_128 = arith.constant 0 : i32
          %parallel_loop3A_129 = arith.constant 0 : i32
          %parallel_loop3A_130 = arith.constant 0 : i32
          %parallel_loop3A_131 = tpu.memref_slice %arg5[%parallel_loop3A_128, %parallel_loop3A_129, %parallel_loop3A_130] : memref<2x64x256xf32, #tpu.memory_space<vmem>> -> memref<1x64x256xf32, #tpu.memory_space<vmem>>
          %parallel_loop3A_132 = tpu.memref_squeeze %parallel_loop3A_131 : memref<1x64x256xf32, #tpu.memory_space<vmem>> -> memref<64x256xf32, #tpu.memory_space<vmem>>
          %parallel_loop3A_133 = tpu.vector_load_idx %parallel_loop3A_132[%parallel_loop3A_120, %parallel_loop3A_127] : memref<64x256xf32, #tpu.memory_space<vmem>>[vector<16xi32>, vector<16xi32>], vector<16xf32>,
          %parallel_loop3A_134 = arith.constant 6 : i32
          %parallel_loop3A_135 = vector.broadcast %parallel_loop3A_134 : i32 to vector<16xi32>
          %parallel_loop3A_136 = arith.shli %parallel_loop3A_127, %parallel_loop3A_135 : vector<16xi32>
          %parallel_loop3A_137 = arith.addi %parallel_loop3A_136, %parallel_loop3A_120 : vector<16xi32>
          tpu.vector_store_idx %arg6[%broadcast_in_dim3A_98, %parallel_loop3A_137], %parallel_loop3A_133 : memref<2x16384xf32, #tpu.memory_space<vmem>>[vector<16xi32>, vector<16xi32>], vector<16xf32>,
        } {sc.loop_unroll_factor = 8 : i64, sc.parallel_access}
        %mul3A_101 = arith.constant 16384 : i32
        %mul3A_102 = arith.muli %add3A_57, %mul3A_101 : i32
        %dma_start3A = arith.constant 0 : i32
        %dma_start3A_103 = arith.constant 0 : i32
        %dma_start3A_104 = arith.constant 0 : i32
        %dma_start3A_105 = tpu.memref_slice %arg6[%dma_start3A, %dma_start3A_104] : memref<2x16384xf32, #tpu.memory_space<vmem>> -> memref<1x16384xf32, #tpu.memory_space<vmem>>
        %dma_start3A_106 = tpu.memref_squeeze %dma_start3A_105 : memref<1x16384xf32, #tpu.memory_space<vmem>> -> memref<16384xf32, #tpu.memory_space<vmem>>
        %dma_start3A_107 = tpu.memref_slice %arg4[%mul3A_102] : memref<64000000xf32, #tpu.memory_space<hbm>> -> memref<16384xf32, #tpu.memory_space<hbm>>
        %dma_start3A_108 = tpu.memref_slice %arg9[%dma_start3A_103] : memref<2x!tpu.dma_semaphore, #tpu.memory_space<semaphore_mem>> -> memref<1x!tpu.dma_semaphore, #tpu.memory_space<semaphore_mem>>
        %dma_start3A_109 = tpu.memref_squeeze %dma_start3A_108 : memref<1x!tpu.dma_semaphore, #tpu.memory_space<semaphore_mem>> -> memref<!tpu.dma_semaphore, #tpu.memory_space<semaphore_mem>>
        %dma_start3A_110 = tpu.memref_slice %arg4[%mul3A_102] : memref<64000000xf32, #tpu.memory_space<hbm>> -> memref<16384xf32, #tpu.memory_space<hbm>>
        %dma_start3A_111 = arith.constant 0 : i32
        %dma_start3A_112 = tpu.memref_slice %arg6[%dma_start3A, %dma_start3A_111] : memref<2x16384xf32, #tpu.memory_space<vmem>> -> memref<1x16384xf32, #tpu.memory_space<vmem>>
        %dma_start3A_113 = tpu.memref_squeeze %dma_start3A_112 : memref<1x16384xf32, #tpu.memory_space<vmem>> -> memref<16384xf32, #tpu.memory_space<vmem>>
        tpu.enqueue_dma source(%dma_start3A_113 : memref<16384xf32, #tpu.memory_space<vmem>>) target(%dma_start3A_110 : memref<16384xf32, #tpu.memory_space<hbm>>) target_semaphore(%dma_start3A_109 : memref<!tpu.dma_semaphore, #tpu.memory_space<semaphore_mem>>)
      } else {
      }
      %mul3A_63 = arith.constant 2 : i32
      %mul3A_64 = arith.muli %mul3A_63, %scan3A_28 : i32
      %add3A_65 = arith.constant 1 : i32
      %add3A_66 = arith.addi %mul3A_64, %add3A_65 : i32
      %add3A_67 = arith.constant 1 : i32
      %add3A_68 = arith.addi %add3A_66, %add3A_67 : i32
      %mul3A_69 = arith.constant 32 : i32
      %mul3A_70 = arith.muli %add3A_68, %mul3A_69 : i32
      %add3A_71 = arith.addi %add3A, %mul3A_70 : i32
      %lt3A_72 = arith.constant 3906 : i32
      %lt3A_73 = arith.cmpi slt, %add3A_71, %lt3A_72 : i32
      %convert_element_type3A_74 = arith.extui %lt3A_73 : i1 to i32
      %cond3A_75 = arith.constant 0 : i32
      %cond3A_76 = arith.cmpi ne, %convert_element_type3A_74, %cond3A_75 : i32
      scf.if %cond3A_76 {
        %mul3A_98 = arith.constant 256 : i32
        %mul3A_99 = arith.muli %add3A_71, %mul3A_98 : i32
        %dma_start3A = arith.constant 0 : i32
        %dma_start3A_100 = arith.constant 0 : i32
        %dma_start3A_101 = arith.constant 0 : i32
        %dma_start3A_102 = arith.constant 0 : i32
        %dma_start3A_103 = tpu.memref_slice %arg5[%dma_start3A, %dma_start3A_101, %dma_start3A_102] : memref<2x64x256xf32, #tpu.memory_space<vmem>> -> memref<1x64x256xf32, #tpu.memory_space<vmem>>
        %dma_start3A_104 = tpu.memref_squeeze %dma_start3A_103 : memref<1x64x256xf32, #tpu.memory_space<vmem>> -> memref<64x256xf32, #tpu.memory_space<vmem>>
        %dma_start3A_105 = arith.constant 0 : i32
        %dma_start3A_106 = tpu.memref_slice %arg2[%dma_start3A_105, %mul3A_99] : memref<64x1000000xf32, #tpu.memory_space<hbm>> -> memref<64x256xf32, #tpu.memory_space<hbm>>
        %dma_start3A_107 = tpu.memref_slice %arg8[%dma_start3A_100] : memref<2x!tpu.dma_semaphore, #tpu.memory_space<semaphore_mem>> -> memref<1x!tpu.dma_semaphore, #tpu.memory_space<semaphore_mem>>
        %dma_start3A_108 = tpu.memref_squeeze %dma_start3A_107 : memref<1x!tpu.dma_semaphore, #tpu.memory_space<semaphore_mem>> -> memref<!tpu.dma_semaphore, #tpu.memory_space<semaphore_mem>>
        %dma_start3A_109 = arith.constant 0 : i32
        %dma_start3A_110 = arith.constant 0 : i32
        %dma_start3A_111 = tpu.memref_slice %arg5[%dma_start3A, %dma_start3A_109, %dma_start3A_110] : memref<2x64x256xf32, #tpu.memory_space<vmem>> -> memref<1x64x256xf32, #tpu.memory_space<vmem>>
        %dma_start3A_112 = tpu.memref_squeeze %dma_start3A_111 : memref<1x64x256xf32, #tpu.memory_space<vmem>> -> memref<64x256xf32, #tpu.memory_space<vmem>>
        %dma_start3A_113 = arith.constant 0 : i32
        %dma_start3A_114 = tpu.memref_slice %arg2[%dma_start3A_113, %mul3A_99] : memref<64x1000000xf32, #tpu.memory_space<hbm>> -> memref<64x256xf32, #tpu.memory_space<hbm>>
        tpu.enqueue_dma source(%dma_start3A_114 : memref<64x256xf32, #tpu.memory_space<hbm>>) target(%dma_start3A_112 : memref<64x256xf32, #tpu.memory_space<vmem>>) target_semaphore(%dma_start3A_108 : memref<!tpu.dma_semaphore, #tpu.memory_space<semaphore_mem>>)
      } else {
      }
      %mul3A_77 = arith.constant 32 : i32
      %mul3A_78 = arith.muli %add3A_66, %mul3A_77 : i32
      %add3A_79 = arith.addi %add3A, %mul3A_78 : i32
      %lt3A_80 = arith.constant 3906 : i32
      %lt3A_81 = arith.cmpi slt, %add3A_79, %lt3A_80 : i32
      %convert_element_type3A_82 = arith.extui %lt3A_81 : i1 to i32
      %cond3A_83 = arith.constant 0 : i32
      %cond3A_84 = arith.cmpi ne, %convert_element_type3A_82, %cond3A_83 : i32
      scf.if %cond3A_84 {
        %dma_wait3A = arith.constant 1 : i32
        %dma_wait3A_98 = arith.constant 1 : i32
        %dma_wait3A_99 = arith.constant 0 : i32
        %dma_wait3A_100 = arith.constant 0 : i32
        %dma_wait3A_101 = tpu.memref_slice %arg5[%dma_wait3A, %dma_wait3A_99, %dma_wait3A_100] : memref<2x64x256xf32, #tpu.memory_space<vmem>> -> memref<1x64x256xf32, #tpu.memory_space<vmem>>
        %dma_wait3A_102 = tpu.memref_squeeze %dma_wait3A_101 : memref<1x64x256xf32, #tpu.memory_space<vmem>> -> memref<64x256xf32, #tpu.memory_space<vmem>>
        %dma_wait3A_103 = arith.constant 0 : i32
        %dma_wait3A_104 = arith.constant 0 : i32
        %dma_wait3A_105 = tpu.memref_slice %arg2[%dma_wait3A_103, %dma_wait3A_104] : memref<64x1000000xf32, #tpu.memory_space<hbm>> -> memref<64x256xf32, #tpu.memory_space<hbm>>
        %dma_wait3A_106 = tpu.memref_slice %arg8[%dma_wait3A_98] : memref<2x!tpu.dma_semaphore, #tpu.memory_space<semaphore_mem>> -> memref<1x!tpu.dma_semaphore, #tpu.memory_space<semaphore_mem>>
        %dma_wait3A_107 = tpu.memref_squeeze %dma_wait3A_106 : memref<1x!tpu.dma_semaphore, #tpu.memory_space<semaphore_mem>> -> memref<!tpu.dma_semaphore, #tpu.memory_space<semaphore_mem>>
        %dma_wait3A_108 = arith.constant 0 : i32
        %dma_wait3A_109 = arith.constant 0 : i32
        %dma_wait3A_110 = tpu.memref_slice %arg5[%dma_wait3A, %dma_wait3A_108, %dma_wait3A_109] : memref<2x64x256xf32, #tpu.memory_space<vmem>> -> memref<1x64x256xf32, #tpu.memory_space<vmem>>
        %dma_wait3A_111 = tpu.memref_squeeze %dma_wait3A_110 : memref<1x64x256xf32, #tpu.memory_space<vmem>> -> memref<64x256xf32, #tpu.memory_space<vmem>>
        %dma_wait3A_112 = arith.constant 0 : i32
        %dma_wait3A_113 = arith.constant 0 : i32
        %dma_wait3A_114 = tpu.memref_slice %arg2[%dma_wait3A_112, %dma_wait3A_113] : memref<64x1000000xf32, #tpu.memory_space<hbm>> -> memref<64x256xf32, #tpu.memory_space<hbm>>
        tpu.wait_dma2 semaphore(%dma_wait3A_107 : memref<!tpu.dma_semaphore, #tpu.memory_space<semaphore_mem>>) src(%dma_wait3A_114 : memref<64x256xf32, #tpu.memory_space<hbm>>) dst(%dma_wait3A_111 : memref<64x256xf32, #tpu.memory_space<vmem>>)
      } else {
      }
      %ge3A_85 = arith.constant 2 : i32
      %ge3A_86 = arith.cmpi sge, %add3A_66, %ge3A_85 : i32
      %convert_element_type3A_87 = arith.extui %ge3A_86 : i1 to i32
      %cond3A_88 = arith.constant 0 : i32
      %cond3A_89 = arith.cmpi ne, %convert_element_type3A_87, %cond3A_88 : i32
      scf.if %cond3A_89 {
        %sub3A = arith.constant 2 : i32
        %sub3A_98 = arith.subi %add3A_66, %sub3A : i32
        %mul3A_99 = arith.constant 32 : i32
        %mul3A_100 = arith.muli %sub3A_98, %mul3A_99 : i32
        %add3A_101 = arith.addi %add3A, %mul3A_100 : i32
        %lt3A_102 = arith.constant 3906 : i32
        %lt3A_103 = arith.cmpi slt, %add3A_101, %lt3A_102 : i32
        %convert_element_type3A_104 = arith.extui %lt3A_103 : i1 to i32
        %cond3A_105 = arith.constant 0 : i32
        %cond3A_106 = arith.cmpi ne, %convert_element_type3A_104, %cond3A_105 : i32
        scf.if %cond3A_106 {
          %dma_wait3A = arith.constant 1 : i32
          %dma_wait3A_107 = arith.constant 1 : i32
          %dma_wait3A_108 = arith.constant 0 : i32
          %dma_wait3A_109 = tpu.memref_slice %arg6[%dma_wait3A, %dma_wait3A_108] : memref<2x16384xf32, #tpu.memory_space<vmem>> -> memref<1x16384xf32, #tpu.memory_space<vmem>>
          %dma_wait3A_110 = tpu.memref_squeeze %dma_wait3A_109 : memref<1x16384xf32, #tpu.memory_space<vmem>> -> memref<16384xf32, #tpu.memory_space<vmem>>
          %dma_wait3A_111 = arith.constant 0 : i32
          %dma_wait3A_112 = tpu.memref_slice %arg4[%dma_wait3A_111] : memref<64000000xf32, #tpu.memory_space<hbm>> -> memref<16384xf32, #tpu.memory_space<hbm>>
          %dma_wait3A_113 = tpu.memref_slice %arg9[%dma_wait3A_107] : memref<2x!tpu.dma_semaphore, #tpu.memory_space<semaphore_mem>> -> memref<1x!tpu.dma_semaphore, #tpu.memory_space<semaphore_mem>>
          %dma_wait3A_114 = tpu.memref_squeeze %dma_wait3A_113 : memref<1x!tpu.dma_semaphore, #tpu.memory_space<semaphore_mem>> -> memref<!tpu.dma_semaphore, #tpu.memory_space<semaphore_mem>>
          %dma_wait3A_115 = arith.constant 0 : i32
          %dma_wait3A_116 = tpu.memref_slice %arg4[%dma_wait3A_115] : memref<64000000xf32, #tpu.memory_space<hbm>> -> memref<16384xf32, #tpu.memory_space<hbm>>
          %dma_wait3A_117 = arith.constant 0 : i32
          %dma_wait3A_118 = tpu.memref_slice %arg6[%dma_wait3A, %dma_wait3A_117] : memref<2x16384xf32, #tpu.memory_space<vmem>> -> memref<1x16384xf32, #tpu.memory_space<vmem>>
          %dma_wait3A_119 = tpu.memref_squeeze %dma_wait3A_118 : memref<1x16384xf32, #tpu.memory_space<vmem>> -> memref<16384xf32, #tpu.memory_space<vmem>>
          tpu.wait_dma2 semaphore(%dma_wait3A_114 : memref<!tpu.dma_semaphore, #tpu.memory_space<semaphore_mem>>) src(%dma_wait3A_119 : memref<16384xf32, #tpu.memory_space<vmem>>) dst(%dma_wait3A_116 : memref<16384xf32, #tpu.memory_space<hbm>>)
        } else {
        }
      } else {
      }
      %mul3A_90 = arith.constant 32 : i32
      %mul3A_91 = arith.muli %add3A_66, %mul3A_90 : i32
      %add3A_92 = arith.addi %add3A, %mul3A_91 : i32
      %lt3A_93 = arith.constant 3906 : i32
      %lt3A_94 = arith.cmpi slt, %add3A_92, %lt3A_93 : i32
      %convert_element_type3A_95 = arith.extui %lt3A_94 : i1 to i32
      %cond3A_96 = arith.constant 0 : i32
      %cond3A_97 = arith.cmpi ne, %convert_element_type3A_95, %cond3A_96 : i32
      scf.if %cond3A_97 {
        %broadcast_in_dim3A = arith.constant 1 : i32
        %broadcast_in_dim3A_98 = vector.broadcast %broadcast_in_dim3A : i32 to vector<16xi32>
        %parallel_loop3A = arith.constant 0 : i32
        %parallel_loop3A_99 = arith.constant 1024 : i32
        %parallel_loop3A_100 = arith.constant 1 : i32
        scf.for %parallel_loop3A_114 = %parallel_loop3A to %parallel_loop3A_99 step %parallel_loop3A_100  : i32 {
          %parallel_loop3A_115 = arith.constant 3 : i32
          %parallel_loop3A_116 = arith.andi %parallel_loop3A_114, %parallel_loop3A_115 : i32
          %parallel_loop3A_117 = arith.constant 4 : i32
          %parallel_loop3A_118 = arith.shli %parallel_loop3A_116, %parallel_loop3A_117 : i32
          %parallel_loop3A_119 = vector.broadcast %parallel_loop3A_118 : i32 to vector<16xi32>
          %parallel_loop3A_120 = arith.addi %iota3A, %parallel_loop3A_119 : vector<16xi32>
          %parallel_loop3A_121 = arith.constant 2 : i32
          %parallel_loop3A_122 = arith.shrsi %parallel_loop3A_114, %parallel_loop3A_121 : i32
          %parallel_loop3A_123 = vector.broadcast %parallel_loop3A_122 : i32 to vector<16xi32>
          %parallel_loop3A_124 = arith.addi %iota3A, %parallel_loop3A_123 : vector<16xi32>
          %parallel_loop3A_125 = arith.constant 255 : i32
          %parallel_loop3A_126 = vector.broadcast %parallel_loop3A_125 : i32 to vector<16xi32>
          %parallel_loop3A_127 = arith.andi %parallel_loop3A_124, %parallel_loop3A_126 : vector<16xi32>
          %parallel_loop3A_128 = arith.constant 1 : i32
          %parallel_loop3A_129 = arith.constant 0 : i32
          %parallel_loop3A_130 = arith.constant 0 : i32
          %parallel_loop3A_131 = tpu.memref_slice %arg5[%parallel_loop3A_128, %parallel_loop3A_129, %parallel_loop3A_130] : memref<2x64x256xf32, #tpu.memory_space<vmem>> -> memref<1x64x256xf32, #tpu.memory_space<vmem>>
          %parallel_loop3A_132 = tpu.memref_squeeze %parallel_loop3A_131 : memref<1x64x256xf32, #tpu.memory_space<vmem>> -> memref<64x256xf32, #tpu.memory_space<vmem>>
          %parallel_loop3A_133 = tpu.vector_load_idx %parallel_loop3A_132[%parallel_loop3A_120, %parallel_loop3A_127] : memref<64x256xf32, #tpu.memory_space<vmem>>[vector<16xi32>, vector<16xi32>], vector<16xf32>,
          %parallel_loop3A_134 = arith.constant 6 : i32
          %parallel_loop3A_135 = vector.broadcast %parallel_loop3A_134 : i32 to vector<16xi32>
          %parallel_loop3A_136 = arith.shli %parallel_loop3A_127, %parallel_loop3A_135 : vector<16xi32>
          %parallel_loop3A_137 = arith.addi %parallel_loop3A_136, %parallel_loop3A_120 : vector<16xi32>
          tpu.vector_store_idx %arg6[%broadcast_in_dim3A_98, %parallel_loop3A_137], %parallel_loop3A_133 : memref<2x16384xf32, #tpu.memory_space<vmem>>[vector<16xi32>, vector<16xi32>], vector<16xf32>,
        } {sc.loop_unroll_factor = 8 : i64, sc.parallel_access}
        %mul3A_101 = arith.constant 16384 : i32
        %mul3A_102 = arith.muli %add3A_92, %mul3A_101 : i32
        %dma_start3A = arith.constant 1 : i32
        %dma_start3A_103 = arith.constant 1 : i32
        %dma_start3A_104 = arith.constant 0 : i32
        %dma_start3A_105 = tpu.memref_slice %arg6[%dma_start3A, %dma_start3A_104] : memref<2x16384xf32, #tpu.memory_space<vmem>> -> memref<1x16384xf32, #tpu.memory_space<vmem>>
        %dma_start3A_106 = tpu.memref_squeeze %dma_start3A_105 : memref<1x16384xf32, #tpu.memory_space<vmem>> -> memref<16384xf32, #tpu.memory_space<vmem>>
        %dma_start3A_107 = tpu.memref_slice %arg4[%mul3A_102] : memref<64000000xf32, #tpu.memory_space<hbm>> -> memref<16384xf32, #tpu.memory_space<hbm>>
        %dma_start3A_108 = tpu.memref_slice %arg9[%dma_start3A_103] : memref<2x!tpu.dma_semaphore, #tpu.memory_space<semaphore_mem>> -> memref<1x!tpu.dma_semaphore, #tpu.memory_space<semaphore_mem>>
        %dma_start3A_109 = tpu.memref_squeeze %dma_start3A_108 : memref<1x!tpu.dma_semaphore, #tpu.memory_space<semaphore_mem>> -> memref<!tpu.dma_semaphore, #tpu.memory_space<semaphore_mem>>
        %dma_start3A_110 = tpu.memref_slice %arg4[%mul3A_102] : memref<64000000xf32, #tpu.memory_space<hbm>> -> memref<16384xf32, #tpu.memory_space<hbm>>
        %dma_start3A_111 = arith.constant 0 : i32
        %dma_start3A_112 = tpu.memref_slice %arg6[%dma_start3A, %dma_start3A_111] : memref<2x16384xf32, #tpu.memory_space<vmem>> -> memref<1x16384xf32, #tpu.memory_space<vmem>>
        %dma_start3A_113 = tpu.memref_squeeze %dma_start3A_112 : memref<1x16384xf32, #tpu.memory_space<vmem>> -> memref<16384xf32, #tpu.memory_space<vmem>>
        tpu.enqueue_dma source(%dma_start3A_113 : memref<16384xf32, #tpu.memory_space<vmem>>) target(%dma_start3A_110 : memref<16384xf32, #tpu.memory_space<hbm>>) target_semaphore(%dma_start3A_109 : memref<!tpu.dma_semaphore, #tpu.memory_space<semaphore_mem>>)
      } else {
      }
    }
    %scan3A_9 = arith.constant 62 : i32
    %add3A_10 = arith.constant 3904 : i32
    %add3A_11 = arith.addi %add3A, %add3A_10 : i32
    %lt3A_12 = arith.constant 3906 : i32
    %lt3A_13 = arith.cmpi slt, %add3A_11, %lt3A_12 : i32
    %convert_element_type3A_14 = arith.extui %lt3A_13 : i1 to i32
    %cond3A_15 = arith.constant 0 : i32
    %cond3A_16 = arith.cmpi ne, %convert_element_type3A_14, %cond3A_15 : i32
    scf.if %cond3A_16 {
      %dma_wait3A = arith.constant 0 : i32
      %dma_wait3A_28 = arith.constant 0 : i32
      %dma_wait3A_29 = arith.constant 0 : i32
      %dma_wait3A_30 = tpu.memref_slice %arg6[%dma_wait3A, %dma_wait3A_29] : memref<2x16384xf32, #tpu.memory_space<vmem>> -> memref<1x16384xf32, #tpu.memory_space<vmem>>
      %dma_wait3A_31 = tpu.memref_squeeze %dma_wait3A_30 : memref<1x16384xf32, #tpu.memory_space<vmem>> -> memref<16384xf32, #tpu.memory_space<vmem>>
      %dma_wait3A_32 = arith.constant 0 : i32
      %dma_wait3A_33 = tpu.memref_slice %arg4[%dma_wait3A_32] : memref<64000000xf32, #tpu.memory_space<hbm>> -> memref<16384xf32, #tpu.memory_space<hbm>>
      %dma_wait3A_34 = tpu.memref_slice %arg9[%dma_wait3A_28] : memref<2x!tpu.dma_semaphore, #tpu.memory_space<semaphore_mem>> -> memref<1x!tpu.dma_semaphore, #tpu.memory_space<semaphore_mem>>
      %dma_wait3A_35 = tpu.memref_squeeze %dma_wait3A_34 : memref<1x!tpu.dma_semaphore, #tpu.memory_space<semaphore_mem>> -> memref<!tpu.dma_semaphore, #tpu.memory_space<semaphore_mem>>
      %dma_wait3A_36 = arith.constant 0 : i32
      %dma_wait3A_37 = tpu.memref_slice %arg4[%dma_wait3A_36] : memref<64000000xf32, #tpu.memory_space<hbm>> -> memref<16384xf32, #tpu.memory_space<hbm>>
      %dma_wait3A_38 = arith.constant 0 : i32
      %dma_wait3A_39 = tpu.memref_slice %arg6[%dma_wait3A, %dma_wait3A_38] : memref<2x16384xf32, #tpu.memory_space<vmem>> -> memref<1x16384xf32, #tpu.memory_space<vmem>>
      %dma_wait3A_40 = tpu.memref_squeeze %dma_wait3A_39 : memref<1x16384xf32, #tpu.memory_space<vmem>> -> memref<16384xf32, #tpu.memory_space<vmem>>
      tpu.wait_dma2 semaphore(%dma_wait3A_35 : memref<!tpu.dma_semaphore, #tpu.memory_space<semaphore_mem>>) src(%dma_wait3A_40 : memref<16384xf32, #tpu.memory_space<vmem>>) dst(%dma_wait3A_37 : memref<16384xf32, #tpu.memory_space<hbm>>)
    } else {
    }
    %add3A_17 = arith.constant 3936 : i32
    %add3A_18 = arith.addi %add3A, %add3A_17 : i32
    %lt3A_19 = arith.constant 3906 : i32
    %lt3A_20 = arith.cmpi slt, %add3A_18, %lt3A_19 : i32
    %convert_element_type3A_21 = arith.extui %lt3A_20 : i1 to i32
    %cond3A_22 = arith.constant 0 : i32
    %cond3A_23 = arith.cmpi ne, %convert_element_type3A_21, %cond3A_22 : i32
    scf.if %cond3A_23 {
      %dma_wait3A = arith.constant 1 : i32
      %dma_wait3A_28 = arith.constant 1 : i32
      %dma_wait3A_29 = arith.constant 0 : i32
      %dma_wait3A_30 = tpu.memref_slice %arg6[%dma_wait3A, %dma_wait3A_29] : memref<2x16384xf32, #tpu.memory_space<vmem>> -> memref<1x16384xf32, #tpu.memory_space<vmem>>
      %dma_wait3A_31 = tpu.memref_squeeze %dma_wait3A_30 : memref<1x16384xf32, #tpu.memory_space<vmem>> -> memref<16384xf32, #tpu.memory_space<vmem>>
      %dma_wait3A_32 = arith.constant 0 : i32
      %dma_wait3A_33 = tpu.memref_slice %arg4[%dma_wait3A_32] : memref<64000000xf32, #tpu.memory_space<hbm>> -> memref<16384xf32, #tpu.memory_space<hbm>>
      %dma_wait3A_34 = tpu.memref_slice %arg9[%dma_wait3A_28] : memref<2x!tpu.dma_semaphore, #tpu.memory_space<semaphore_mem>> -> memref<1x!tpu.dma_semaphore, #tpu.memory_space<semaphore_mem>>
      %dma_wait3A_35 = tpu.memref_squeeze %dma_wait3A_34 : memref<1x!tpu.dma_semaphore, #tpu.memory_space<semaphore_mem>> -> memref<!tpu.dma_semaphore, #tpu.memory_space<semaphore_mem>>
      %dma_wait3A_36 = arith.constant 0 : i32
      %dma_wait3A_37 = tpu.memref_slice %arg4[%dma_wait3A_36] : memref<64000000xf32, #tpu.memory_space<hbm>> -> memref<16384xf32, #tpu.memory_space<hbm>>
      %dma_wait3A_38 = arith.constant 0 : i32
      %dma_wait3A_39 = tpu.memref_slice %arg6[%dma_wait3A, %dma_wait3A_38] : memref<2x16384xf32, #tpu.memory_space<vmem>> -> memref<1x16384xf32, #tpu.memory_space<vmem>>
      %dma_wait3A_40 = tpu.memref_squeeze %dma_wait3A_39 : memref<1x16384xf32, #tpu.memory_space<vmem>> -> memref<16384xf32, #tpu.memory_space<vmem>>
      tpu.wait_dma2 semaphore(%dma_wait3A_35 : memref<!tpu.dma_semaphore, #tpu.memory_space<semaphore_mem>>) src(%dma_wait3A_40 : memref<16384xf32, #tpu.memory_space<vmem>>) dst(%dma_wait3A_37 : memref<16384xf32, #tpu.memory_space<hbm>>)
    } else {
    }
    %eq3A = arith.constant 0 : i32
    %eq3A_24 = arith.cmpi eq, %add3A, %eq3A : i32
    %convert_element_type3A_25 = arith.extui %eq3A_24 : i1 to i32
    %cond3A_26 = arith.constant 0 : i32
    %cond3A_27 = arith.cmpi ne, %convert_element_type3A_25, %cond3A_26 : i32
    scf.if %cond3A_27 {
      "tpu.region"() ({
        %run_scoped3A = tpu.sem_alloc : memref<!tpu.dma_semaphore, #tpu.memory_space<semaphore_mem>>
        tpu.enqueue_dma source(%arg3 : memref<4096xf32, #tpu.memory_space<hbm>>) target(%arg7 : memref<4096xf32, #tpu.memory_space<vmem>>) target_semaphore(%run_scoped3A : memref<!tpu.dma_semaphore, #tpu.memory_space<semaphore_mem>>)
        tpu.wait_dma2 semaphore(%run_scoped3A : memref<!tpu.dma_semaphore, #tpu.memory_space<semaphore_mem>>) src(%arg3 : memref<4096xf32, #tpu.memory_space<hbm>>) dst(%arg7 : memref<4096xf32, #tpu.memory_space<vmem>>)
        tpu.yield
      }) : () -> ()
      "tpu.region"() ({
        %run_scoped3A = tpu.sem_alloc : memref<!tpu.dma_semaphore, #tpu.memory_space<semaphore_mem>>
        %dma_start3A = arith.constant 63995904 : i32
        %dma_start3A_28 = tpu.memref_slice %arg4[%dma_start3A] : memref<64000000xf32, #tpu.memory_space<hbm>> -> memref<4096xf32, #tpu.memory_space<hbm>>
        %dma_start3A_29 = arith.constant 63995904 : i32
        %dma_start3A_30 = tpu.memref_slice %arg4[%dma_start3A_29] : memref<64000000xf32, #tpu.memory_space<hbm>> -> memref<4096xf32, #tpu.memory_space<hbm>>
        tpu.enqueue_dma source(%arg7 : memref<4096xf32, #tpu.memory_space<vmem>>) target(%dma_start3A_30 : memref<4096xf32, #tpu.memory_space<hbm>>) target_semaphore(%run_scoped3A : memref<!tpu.dma_semaphore, #tpu.memory_space<semaphore_mem>>)
        %dma_wait3A = arith.constant 63995904 : i32
        %dma_wait3A_31 = tpu.memref_slice %arg4[%dma_wait3A] : memref<64000000xf32, #tpu.memory_space<hbm>> -> memref<4096xf32, #tpu.memory_space<hbm>>
        %dma_wait3A_32 = arith.constant 63995904 : i32
        %dma_wait3A_33 = tpu.memref_slice %arg4[%dma_wait3A_32] : memref<64000000xf32, #tpu.memory_space<hbm>> -> memref<4096xf32, #tpu.memory_space<hbm>>
        tpu.wait_dma2 semaphore(%run_scoped3A : memref<!tpu.dma_semaphore, #tpu.memory_space<semaphore_mem>>) src(%arg7 : memref<4096xf32, #tpu.memory_space<vmem>>) dst(%dma_wait3A_33 : memref<4096xf32, #tpu.memory_space<hbm>>)
        tpu.yield
      }) : () -> ()
    } else {
    }
    return
  }
}

#map = affine_map<(d0, d1) -> (0, 0, 0)>
#map1 = affine_map<(d0, d1) -> (0, 0)>
#map2 = affine_map<(d0, d1) -> (0, 0, 0, 0, 0)>
module attributes {stable_mosaic.version = 14 : i64} {
  func.func @k2(%arg0: i32, %arg1: i32, %arg2: memref<32x104x128xi32, #tpu.memory_space<hbm>>, %arg3: memref<1000000x64xf32, #tpu.memory_space<hbm>>, %arg4: memref<26x8x128x8x128xf32, #tpu.memory_space<hbm>>, %arg5: memref<104x128xi32, #tpu.memory_space<vmem>>, %arg6: memref<4x128x64xf32, #tpu.memory_space<vmem>>, %arg7: memref<4x8x8x128xf32, #tpu.memory_space<vmem>>, %arg8: memref<4x!tpu.dma_semaphore, #tpu.memory_space<semaphore_mem>>, %arg9: memref<4x!tpu.dma_semaphore, #tpu.memory_space<semaphore_mem>>) attributes {dimension_semantics = [#tpu.dimension_semantics<core_parallel>, #tpu.dimension_semantics<subcore_parallel>], iteration_bounds = array<i64: 2, 16>, scalar_prefetch = 0 : i64, scratch_operands = 5 : i64, tpu.core_type = #tpu.core_type<sc_vector_subcore>, window_params = [{transform_indices = #map}, {transform_indices = #map1}, {transform_indices = #map2}]} {
    %mul3A = arith.constant 2 : i32
    %mul3A_0 = arith.muli %arg1, %mul3A : i32
    %add3A = arith.addi %mul3A_0, %arg0 : i32
    %mul3A_1 = arith.constant 104 : i32
    %mul3A_2 = arith.muli %add3A, %mul3A_1 : i32
    %iota3A = tpu.iota {dimensions = array<i32: 0>} : vector<16xi32>
    "tpu.region"() ({
      %run_scoped3A = tpu.sem_alloc : memref<!tpu.dma_semaphore, #tpu.memory_space<semaphore_mem>>
      %dma_start3A = arith.constant 0 : i32
      %dma_start3A_207 = arith.constant 0 : i32
      %dma_start3A_208 = tpu.memref_slice %arg2[%add3A, %dma_start3A, %dma_start3A_207] : memref<32x104x128xi32, #tpu.memory_space<hbm>> -> memref<1x104x128xi32, #tpu.memory_space<hbm>>
      %dma_start3A_209 = tpu.memref_squeeze %dma_start3A_208 : memref<1x104x128xi32, #tpu.memory_space<hbm>> -> memref<104x128xi32, #tpu.memory_space<hbm>>
      %dma_start3A_210 = arith.constant 0 : i32
      %dma_start3A_211 = arith.constant 0 : i32
      %dma_start3A_212 = tpu.memref_slice %arg2[%add3A, %dma_start3A_210, %dma_start3A_211] : memref<32x104x128xi32, #tpu.memory_space<hbm>> -> memref<1x104x128xi32, #tpu.memory_space<hbm>>
      %dma_start3A_213 = tpu.memref_squeeze %dma_start3A_212 : memref<1x104x128xi32, #tpu.memory_space<hbm>> -> memref<104x128xi32, #tpu.memory_space<hbm>>
      tpu.enqueue_dma source(%dma_start3A_213 : memref<104x128xi32, #tpu.memory_space<hbm>>) target(%arg5 : memref<104x128xi32, #tpu.memory_space<vmem>>) target_semaphore(%run_scoped3A : memref<!tpu.dma_semaphore, #tpu.memory_space<semaphore_mem>>)
      %dma_wait3A_214 = arith.constant 0 : i32
      %dma_wait3A_215 = arith.constant 0 : i32
      %dma_wait3A_216 = tpu.memref_slice %arg2[%add3A, %dma_wait3A_214, %dma_wait3A_215] : memref<32x104x128xi32, #tpu.memory_space<hbm>> -> memref<1x104x128xi32, #tpu.memory_space<hbm>>
      %dma_wait3A_217 = tpu.memref_squeeze %dma_wait3A_216 : memref<1x104x128xi32, #tpu.memory_space<hbm>> -> memref<104x128xi32, #tpu.memory_space<hbm>>
      %dma_wait3A_218 = arith.constant 0 : i32
      %dma_wait3A_219 = arith.constant 0 : i32
      %dma_wait3A_220 = tpu.memref_slice %arg2[%add3A, %dma_wait3A_218, %dma_wait3A_219] : memref<32x104x128xi32, #tpu.memory_space<hbm>> -> memref<1x104x128xi32, #tpu.memory_space<hbm>>
      %dma_wait3A_221 = tpu.memref_squeeze %dma_wait3A_220 : memref<1x104x128xi32, #tpu.memory_space<hbm>> -> memref<104x128xi32, #tpu.memory_space<hbm>>
      tpu.wait_dma2 semaphore(%run_scoped3A : memref<!tpu.dma_semaphore, #tpu.memory_space<semaphore_mem>>) src(%dma_wait3A_221 : memref<104x128xi32, #tpu.memory_space<hbm>>) dst(%arg5 : memref<104x128xi32, #tpu.memory_space<vmem>>)
      tpu.yield
    }) : () -> ()
    %scan3A = arith.constant 0 : i32
    %scan3A_3 = arith.constant 0 : i32
    %scan3A_4 = arith.constant 106 : i32
    %scan3A_5 = arith.addi %scan3A_3, %scan3A_4 : i32
    %scan3A_6 = arith.constant 1 : i32
    scf.for %scan3A_207 = %scan3A_3 to %scan3A_5 step %scan3A_6  : i32 {
      %rem3A_208 = arith.constant 4 : i32
      %rem3A_209 = arith.remsi %scan3A_207, %rem3A_208 : i32
      %lt3A = arith.constant 104 : i32
      %lt3A_210 = arith.cmpi slt, %scan3A_207, %lt3A : i32
      %convert_element_type3A = arith.extui %lt3A_210 : i1 to i32
      %cond3A = arith.constant 0 : i32
      %cond3A_211 = arith.cmpi ne, %convert_element_type3A, %cond3A : i32
      scf.if %cond3A_211 {
        %ge3A_216 = arith.constant 4 : i32
        %ge3A_217 = arith.cmpi sge, %scan3A_207, %ge3A_216 : i32
        %convert_element_type3A_218 = arith.extui %ge3A_217 : i1 to i32
        %cond3A_219 = arith.constant 0 : i32
        %cond3A_220 = arith.cmpi ne, %convert_element_type3A_218, %cond3A_219 : i32
        scf.if %cond3A_220 {
          %add3A_232 = arith.constant 0 : i32
          %add3A_233 = arith.addi %mul3A_2, %add3A_232 : i32
          %jit3A_234 = arith.constant 128 : i32
          %div3A_235 = arith.divsi %add3A_233, %jit3A_234 : i32
          %sign3A_236 = arith.constant 0 : i32
          %sign3A_237 = arith.cmpi sgt, %add3A_233, %sign3A_236 : i32
          %sign3A_238 = arith.extui %sign3A_237 : i1 to i32
          %sign3A_239 = arith.constant 0 : i32
          %sign3A_240 = arith.cmpi slt, %add3A_233, %sign3A_239 : i32
          %sign3A_241 = arith.extui %sign3A_240 : i1 to i32
          %sign3A_242 = arith.subi %sign3A_238, %sign3A_241 : i32
          %sign3A_243 = arith.constant 0 : i32
          %sign3A_244 = arith.cmpi sgt, %jit3A_234, %sign3A_243 : i32
          %sign3A_245 = arith.extui %sign3A_244 : i1 to i32
          %sign3A_246 = arith.constant 0 : i32
          %sign3A_247 = arith.cmpi slt, %jit3A_234, %sign3A_246 : i32
          %sign3A_248 = arith.extui %sign3A_247 : i1 to i32
          %sign3A_249 = arith.subi %sign3A_245, %sign3A_248 : i32
          %ne3A_250 = arith.cmpi ne, %sign3A_242, %sign3A_249 : i32
          %rem3A_251 = arith.remsi %add3A_233, %jit3A_234 : i32
          %ne3A_252 = arith.constant 0 : i32
          %ne3A_253 = arith.cmpi ne, %rem3A_251, %ne3A_252 : i32
          %and3A_254 = arith.andi %ne3A_250, %ne3A_253 : i1
          %sub3A_255 = arith.constant 1 : i32
          %sub3A_256 = arith.subi %div3A_235, %sub3A_255 : i32
          %select_n3A_257 = arith.select %and3A_254, %sub3A_256, %div3A_235 : i32
          %rem3A_258 = arith.constant 128 : i32
          %rem3A_259 = arith.remsi %add3A_233, %rem3A_258 : i32
          %dma_wait3A_260 = arith.constant 0 : i32
          %dma_wait3A_261 = arith.constant 0 : i32
          %dma_wait3A_262 = arith.constant 0 : i32
          %dma_wait3A_263 = tpu.memref_slice %arg7[%rem3A_209, %dma_wait3A_260, %dma_wait3A_261, %dma_wait3A_262] : memref<4x8x8x128xf32, #tpu.memory_space<vmem>> -> memref<1x8x8x128xf32, #tpu.memory_space<vmem>>
          %dma_wait3A_264 = tpu.memref_squeeze %dma_wait3A_263 : memref<1x8x8x128xf32, #tpu.memory_space<vmem>> -> memref<8x8x128xf32, #tpu.memory_space<vmem>>
          %dma_wait3A_265 = arith.constant 0 : i32
          %dma_wait3A_266 = arith.constant 0 : i32
          %dma_wait3A_267 = arith.constant 0 : i32
          %dma_wait3A_268 = tpu.memref_slice %arg4[%select_n3A_257, %dma_wait3A_265, %rem3A_259, %dma_wait3A_266, %dma_wait3A_267] : memref<26x8x128x8x128xf32, #tpu.memory_space<hbm>> -> memref<1x8x1x8x128xf32, #tpu.memory_space<hbm>>
          %dma_wait3A_269 = tpu.memref_squeeze %dma_wait3A_268 : memref<1x8x1x8x128xf32, #tpu.memory_space<hbm>> -> memref<8x8x128xf32, #tpu.memory_space<hbm>>
          %dma_wait3A_270 = tpu.memref_slice %arg9[%rem3A_209] : memref<4x!tpu.dma_semaphore, #tpu.memory_space<semaphore_mem>> -> memref<1x!tpu.dma_semaphore, #tpu.memory_space<semaphore_mem>>
          %dma_wait3A_271 = tpu.memref_squeeze %dma_wait3A_270 : memref<1x!tpu.dma_semaphore, #tpu.memory_space<semaphore_mem>> -> memref<!tpu.dma_semaphore, #tpu.memory_space<semaphore_mem>>
          %dma_wait3A_272 = arith.constant 0 : i32
          %dma_wait3A_273 = arith.constant 0 : i32
          %dma_wait3A_274 = arith.constant 0 : i32
          %dma_wait3A_275 = tpu.memref_slice %arg4[%select_n3A_257, %dma_wait3A_272, %rem3A_259, %dma_wait3A_273, %dma_wait3A_274] : memref<26x8x128x8x128xf32, #tpu.memory_space<hbm>> -> memref<1x8x1x8x128xf32, #tpu.memory_space<hbm>>
          %dma_wait3A_276 = tpu.memref_squeeze %dma_wait3A_275 : memref<1x8x1x8x128xf32, #tpu.memory_space<hbm>> -> memref<8x8x128xf32, #tpu.memory_space<hbm>>
          %dma_wait3A_277 = arith.constant 0 : i32
          %dma_wait3A_278 = arith.constant 0 : i32
          %dma_wait3A_279 = arith.constant 0 : i32
          %dma_wait3A_280 = tpu.memref_slice %arg7[%rem3A_209, %dma_wait3A_277, %dma_wait3A_278, %dma_wait3A_279] : memref<4x8x8x128xf32, #tpu.memory_space<vmem>> -> memref<1x8x8x128xf32, #tpu.memory_space<vmem>>
          %dma_wait3A_281 = tpu.memref_squeeze %dma_wait3A_280 : memref<1x8x8x128xf32, #tpu.memory_space<vmem>> -> memref<8x8x128xf32, #tpu.memory_space<vmem>>
          tpu.wait_dma2 semaphore(%dma_wait3A_271 : memref<!tpu.dma_semaphore, #tpu.memory_space<semaphore_mem>>) src(%dma_wait3A_281 : memref<8x8x128xf32, #tpu.memory_space<vmem>>) dst(%dma_wait3A_276 : memref<8x8x128xf32, #tpu.memory_space<hbm>>)
        } else {
        }
        %dma_start3A = arith.constant 0 : i32
        %dma_start3A_221 = arith.constant 0 : i32
        %dma_start3A_222 = tpu.memref_slice %arg6[%rem3A_209, %dma_start3A, %dma_start3A_221] : memref<4x128x64xf32, #tpu.memory_space<vmem>> -> memref<1x128x64xf32, #tpu.memory_space<vmem>>
        %dma_start3A_223 = tpu.memref_squeeze %dma_start3A_222 : memref<1x128x64xf32, #tpu.memory_space<vmem>> -> memref<128x64xf32, #tpu.memory_space<vmem>>
        %dma_start3A_224 = arith.constant 0 : i32
        %dma_start3A_225 = tpu.memref_slice %arg5[%scan3A_207, %dma_start3A_224] : memref<104x128xi32, #tpu.memory_space<vmem>> -> memref<1x128xi32, #tpu.memory_space<vmem>>
        %dma_start3A_226 = tpu.memref_squeeze %dma_start3A_225 : memref<1x128xi32, #tpu.memory_space<vmem>> -> memref<128xi32, #tpu.memory_space<vmem>>
        %dma_start3A_227 = arith.constant 0 : i32
        %dma_start3A_228 = arith.constant 0 : i32
        %dma_start3A_229 = tpu.memref_slice %arg3[%dma_start3A_227, %dma_start3A_228] : memref<1000000x64xf32, #tpu.memory_space<hbm>> -> memref<1000000x64xf32, #tpu.memory_space<hbm>>
        %dma_start3A_230 = tpu.memref_slice %arg8[%rem3A_209] : memref<4x!tpu.dma_semaphore, #tpu.memory_space<semaphore_mem>> -> memref<1x!tpu.dma_semaphore, #tpu.memory_space<semaphore_mem>>
        %dma_start3A_231 = tpu.memref_squeeze %dma_start3A_230 : memref<1x!tpu.dma_semaphore, #tpu.memory_space<semaphore_mem>> -> memref<!tpu.dma_semaphore, #tpu.memory_space<semaphore_mem>>
        tpu.enqueue_indirect_dma source(%dma_start3A_229 : memref<1000000x64xf32, #tpu.memory_space<hbm>>) target(%dma_start3A_223 : memref<128x64xf32, #tpu.memory_space<vmem>>) offsets(%dma_start3A_226 : memref<128xi32, #tpu.memory_space<vmem>>) semaphore(%dma_start3A_231 : memref<!tpu.dma_semaphore, #tpu.memory_space<semaphore_mem>>)
      } else {
      }
      %ge3A = arith.constant 2 : i32
      %ge3A_212 = arith.cmpi sge, %scan3A_207, %ge3A : i32
      %convert_element_type3A_213 = arith.extui %ge3A_212 : i1 to i32
      %cond3A_214 = arith.constant 0 : i32
      %cond3A_215 = arith.cmpi ne, %convert_element_type3A_213, %cond3A_214 : i32
      scf.if %cond3A_215 {
        %sub3A_216 = arith.constant 2 : i32
        %sub3A_217 = arith.subi %scan3A_207, %sub3A_216 : i32
        %rem3A_218 = arith.constant 4 : i32
        %rem3A_219 = arith.remsi %sub3A_217, %rem3A_218 : i32
        %dma_wait3A_220 = arith.constant 0 : i32
        %dma_wait3A_221 = arith.constant 0 : i32
        %dma_wait3A_222 = tpu.memref_slice %arg6[%rem3A_219, %dma_wait3A_220, %dma_wait3A_221] : memref<4x128x64xf32, #tpu.memory_space<vmem>> -> memref<1x128x64xf32, #tpu.memory_space<vmem>>
        %dma_wait3A_223 = tpu.memref_squeeze %dma_wait3A_222 : memref<1x128x64xf32, #tpu.memory_space<vmem>> -> memref<128x64xf32, #tpu.memory_space<vmem>>
        %dma_wait3A_224 = arith.constant 0 : i32
        %dma_wait3A_225 = tpu.memref_slice %arg5[%sub3A_217, %dma_wait3A_224] : memref<104x128xi32, #tpu.memory_space<vmem>> -> memref<1x128xi32, #tpu.memory_space<vmem>>
        %dma_wait3A_226 = tpu.memref_squeeze %dma_wait3A_225 : memref<1x128xi32, #tpu.memory_space<vmem>> -> memref<128xi32, #tpu.memory_space<vmem>>
        %dma_wait3A_227 = arith.constant 0 : i32
        %dma_wait3A_228 = arith.constant 0 : i32
        %dma_wait3A_229 = tpu.memref_slice %arg3[%dma_wait3A_227, %dma_wait3A_228] : memref<1000000x64xf32, #tpu.memory_space<hbm>> -> memref<1000000x64xf32, #tpu.memory_space<hbm>>
        %dma_wait3A_230 = tpu.memref_slice %arg8[%rem3A_219] : memref<4x!tpu.dma_semaphore, #tpu.memory_space<semaphore_mem>> -> memref<1x!tpu.dma_semaphore, #tpu.memory_space<semaphore_mem>>
        %dma_wait3A_231 = tpu.memref_squeeze %dma_wait3A_230 : memref<1x!tpu.dma_semaphore, #tpu.memory_space<semaphore_mem>> -> memref<!tpu.dma_semaphore, #tpu.memory_space<semaphore_mem>>
        tpu.wait_indirect_dma semaphore(%dma_wait3A_231 : memref<!tpu.dma_semaphore, #tpu.memory_space<semaphore_mem>>) src(%dma_wait3A_229 : memref<1000000x64xf32, #tpu.memory_space<hbm>>) dst(%dma_wait3A_223 : memref<128x64xf32, #tpu.memory_space<vmem>>)
        %broadcast_in_dim3A = arith.constant 0 : i32
        %broadcast_in_dim3A_232 = vector.broadcast %broadcast_in_dim3A : i32 to vector<16xi32>
        %add3A_233 = vector.broadcast %rem3A_219 : i32 to vector<16xi32>
        %add3A_234 = arith.addi %broadcast_in_dim3A_232, %add3A_233 : vector<16xi32>
        %parallel_loop3A = arith.constant 0 : i32
        %parallel_loop3A_235 = arith.constant 512 : i32
        %parallel_loop3A_236 = arith.constant 1 : i32
        scf.for %parallel_loop3A_285 = %parallel_loop3A to %parallel_loop3A_235 step %parallel_loop3A_236  : i32 {
          %parallel_loop3A_286 = arith.constant 3 : i32
          %parallel_loop3A_287 = arith.andi %parallel_loop3A_285, %parallel_loop3A_286 : i32
          %parallel_loop3A_288 = arith.constant 4 : i32
          %parallel_loop3A_289 = arith.shli %parallel_loop3A_287, %parallel_loop3A_288 : i32
          %parallel_loop3A_290 = vector.broadcast %parallel_loop3A_289 : i32 to vector<16xi32>
          %parallel_loop3A_291 = arith.addi %iota3A, %parallel_loop3A_290 : vector<16xi32>
          %parallel_loop3A_292 = arith.constant 2 : i32
          %parallel_loop3A_293 = arith.shrsi %parallel_loop3A_285, %parallel_loop3A_292 : i32
          %parallel_loop3A_294 = vector.broadcast %parallel_loop3A_293 : i32 to vector<16xi32>
          %parallel_loop3A_295 = arith.addi %iota3A, %parallel_loop3A_294 : vector<16xi32>
          %parallel_loop3A_296 = arith.constant 127 : i32
          %parallel_loop3A_297 = vector.broadcast %parallel_loop3A_296 : i32 to vector<16xi32>
          %parallel_loop3A_298 = arith.andi %parallel_loop3A_295, %parallel_loop3A_297 : vector<16xi32>
          %parallel_loop3A_299 = tpu.vector_load_idx %arg6[%add3A_234, %parallel_loop3A_298, %parallel_loop3A_291] : memref<4x128x64xf32, #tpu.memory_space<vmem>>[vector<16xi32>, vector<16xi32>, vector<16xi32>], vector<16xf32>,
          %parallel_loop3A_300 = arith.constant 3 : i32
          %parallel_loop3A_301 = vector.broadcast %parallel_loop3A_300 : i32 to vector<16xi32>
          %parallel_loop3A_302 = arith.shrsi %parallel_loop3A_291, %parallel_loop3A_301 : vector<16xi32>
          %parallel_loop3A_303 = arith.constant 7 : i32
          %parallel_loop3A_304 = vector.broadcast %parallel_loop3A_303 : i32 to vector<16xi32>
          %parallel_loop3A_305 = arith.andi %parallel_loop3A_291, %parallel_loop3A_304 : vector<16xi32>
          tpu.vector_store_idx %arg7[%add3A_234, %parallel_loop3A_302, %parallel_loop3A_305, %parallel_loop3A_298], %parallel_loop3A_299 : memref<4x8x8x128xf32, #tpu.memory_space<vmem>>[vector<16xi32>, vector<16xi32>, vector<16xi32>, vector<16xi32>], vector<16xf32>,
        } {sc.loop_unroll_factor = 8 : i64, sc.parallel_access}
        %add3A_237 = arith.addi %mul3A_2, %sub3A_217 : i32
        %jit3A_238 = arith.constant 128 : i32
        %div3A_239 = arith.divsi %add3A_237, %jit3A_238 : i32
        %sign3A_240 = arith.constant 0 : i32
        %sign3A_241 = arith.cmpi sgt, %add3A_237, %sign3A_240 : i32
        %sign3A_242 = arith.extui %sign3A_241 : i1 to i32
        %sign3A_243 = arith.constant 0 : i32
        %sign3A_244 = arith.cmpi slt, %add3A_237, %sign3A_243 : i32
        %sign3A_245 = arith.extui %sign3A_244 : i1 to i32
        %sign3A_246 = arith.subi %sign3A_242, %sign3A_245 : i32
        %sign3A_247 = arith.constant 0 : i32
        %sign3A_248 = arith.cmpi sgt, %jit3A_238, %sign3A_247 : i32
        %sign3A_249 = arith.extui %sign3A_248 : i1 to i32
        %sign3A_250 = arith.constant 0 : i32
        %sign3A_251 = arith.cmpi slt, %jit3A_238, %sign3A_250 : i32
        %sign3A_252 = arith.extui %sign3A_251 : i1 to i32
        %sign3A_253 = arith.subi %sign3A_249, %sign3A_252 : i32
        %ne3A_254 = arith.cmpi ne, %sign3A_246, %sign3A_253 : i32
        %rem3A_255 = arith.remsi %add3A_237, %jit3A_238 : i32
        %ne3A_256 = arith.constant 0 : i32
        %ne3A_257 = arith.cmpi ne, %rem3A_255, %ne3A_256 : i32
        %and3A_258 = arith.andi %ne3A_254, %ne3A_257 : i1
        %sub3A_259 = arith.constant 1 : i32
        %sub3A_260 = arith.subi %div3A_239, %sub3A_259 : i32
        %select_n3A_261 = arith.select %and3A_258, %sub3A_260, %div3A_239 : i32
        %rem3A_262 = arith.constant 128 : i32
        %rem3A_263 = arith.remsi %add3A_237, %rem3A_262 : i32
        %dma_start3A = arith.constant 0 : i32
        %dma_start3A_264 = arith.constant 0 : i32
        %dma_start3A_265 = arith.constant 0 : i32
        %dma_start3A_266 = tpu.memref_slice %arg7[%rem3A_219, %dma_start3A, %dma_start3A_264, %dma_start3A_265] : memref<4x8x8x128xf32, #tpu.memory_space<vmem>> -> memref<1x8x8x128xf32, #tpu.memory_space<vmem>>
        %dma_start3A_267 = tpu.memref_squeeze %dma_start3A_266 : memref<1x8x8x128xf32, #tpu.memory_space<vmem>> -> memref<8x8x128xf32, #tpu.memory_space<vmem>>
        %dma_start3A_268 = arith.constant 0 : i32
        %dma_start3A_269 = arith.constant 0 : i32
        %dma_start3A_270 = arith.constant 0 : i32
        %dma_start3A_271 = tpu.memref_slice %arg4[%select_n3A_261, %dma_start3A_268, %rem3A_263, %dma_start3A_269, %dma_start3A_270] : memref<26x8x128x8x128xf32, #tpu.memory_space<hbm>> -> memref<1x8x1x8x128xf32, #tpu.memory_space<hbm>>
        %dma_start3A_272 = tpu.memref_squeeze %dma_start3A_271 : memref<1x8x1x8x128xf32, #tpu.memory_space<hbm>> -> memref<8x8x128xf32, #tpu.memory_space<hbm>>
        %dma_start3A_273 = tpu.memref_slice %arg9[%rem3A_219] : memref<4x!tpu.dma_semaphore, #tpu.memory_space<semaphore_mem>> -> memref<1x!tpu.dma_semaphore, #tpu.memory_space<semaphore_mem>>
        %dma_start3A_274 = tpu.memref_squeeze %dma_start3A_273 : memref<1x!tpu.dma_semaphore, #tpu.memory_space<semaphore_mem>> -> memref<!tpu.dma_semaphore, #tpu.memory_space<semaphore_mem>>
        %dma_start3A_275 = arith.constant 0 : i32
        %dma_start3A_276 = arith.constant 0 : i32
        %dma_start3A_277 = arith.constant 0 : i32
        %dma_start3A_278 = tpu.memref_slice %arg4[%select_n3A_261, %dma_start3A_275, %rem3A_263, %dma_start3A_276, %dma_start3A_277] : memref<26x8x128x8x128xf32, #tpu.memory_space<hbm>> -> memref<1x8x1x8x128xf32, #tpu.memory_space<hbm>>
        %dma_start3A_279 = tpu.memref_squeeze %dma_start3A_278 : memref<1x8x1x8x128xf32, #tpu.memory_space<hbm>> -> memref<8x8x128xf32, #tpu.memory_space<hbm>>
        %dma_start3A_280 = arith.constant 0 : i32
        %dma_start3A_281 = arith.constant 0 : i32
        %dma_start3A_282 = arith.constant 0 : i32
        %dma_start3A_283 = tpu.memref_slice %arg7[%rem3A_219, %dma_start3A_280, %dma_start3A_281, %dma_start3A_282] : memref<4x8x8x128xf32, #tpu.memory_space<vmem>> -> memref<1x8x8x128xf32, #tpu.memory_space<vmem>>
        %dma_start3A_284 = tpu.memref_squeeze %dma_start3A_283 : memref<1x8x8x128xf32, #tpu.memory_space<vmem>> -> memref<8x8x128xf32, #tpu.memory_space<vmem>>
        tpu.enqueue_dma source(%dma_start3A_284 : memref<8x8x128xf32, #tpu.memory_space<vmem>>) target(%dma_start3A_279 : memref<8x8x128xf32, #tpu.memory_space<hbm>>) target_semaphore(%dma_start3A_274 : memref<!tpu.dma_semaphore, #tpu.memory_space<semaphore_mem>>)
      } else {
      }
    }
    %scan3A_7 = arith.constant 106 : i32
    %add3A_8 = arith.constant 0 : i32
    %add3A_9 = arith.addi %mul3A_2, %add3A_8 : i32
    %jit3A = arith.constant 128 : i32
    %div3A = arith.divsi %add3A_9, %jit3A : i32
    %sign3A = arith.constant 0 : i32
    %sign3A_10 = arith.cmpi sgt, %add3A_9, %sign3A : i32
    %sign3A_11 = arith.extui %sign3A_10 : i1 to i32
    %sign3A_12 = arith.constant 0 : i32
    %sign3A_13 = arith.cmpi slt, %add3A_9, %sign3A_12 : i32
    %sign3A_14 = arith.extui %sign3A_13 : i1 to i32
    %sign3A_15 = arith.subi %sign3A_11, %sign3A_14 : i32
    %sign3A_16 = arith.constant 0 : i32
    %sign3A_17 = arith.cmpi sgt, %jit3A, %sign3A_16 : i32
    %sign3A_18 = arith.extui %sign3A_17 : i1 to i32
    %sign3A_19 = arith.constant 0 : i32
    %sign3A_20 = arith.cmpi slt, %jit3A, %sign3A_19 : i32
    %sign3A_21 = arith.extui %sign3A_20 : i1 to i32
    %sign3A_22 = arith.subi %sign3A_18, %sign3A_21 : i32
    %ne3A = arith.cmpi ne, %sign3A_15, %sign3A_22 : i32
    %rem3A = arith.remsi %add3A_9, %jit3A : i32
    %ne3A_23 = arith.constant 0 : i32
    %ne3A_24 = arith.cmpi ne, %rem3A, %ne3A_23 : i32
    %and3A = arith.andi %ne3A, %ne3A_24 : i1
    %sub3A = arith.constant 1 : i32
    %sub3A_25 = arith.subi %div3A, %sub3A : i32
    %select_n3A = arith.select %and3A, %sub3A_25, %div3A : i32
    %rem3A_26 = arith.constant 128 : i32
    %rem3A_27 = arith.remsi %add3A_9, %rem3A_26 : i32
    %dma_wait3A = arith.constant 0 : i32
    %dma_wait3A_28 = arith.constant 0 : i32
    %dma_wait3A_29 = arith.constant 0 : i32
    %dma_wait3A_30 = arith.constant 0 : i32
    %dma_wait3A_31 = arith.constant 0 : i32
    %dma_wait3A_32 = tpu.memref_slice %arg7[%dma_wait3A, %dma_wait3A_29, %dma_wait3A_30, %dma_wait3A_31] : memref<4x8x8x128xf32, #tpu.memory_space<vmem>> -> memref<1x8x8x128xf32, #tpu.memory_space<vmem>>
    %dma_wait3A_33 = tpu.memref_squeeze %dma_wait3A_32 : memref<1x8x8x128xf32, #tpu.memory_space<vmem>> -> memref<8x8x128xf32, #tpu.memory_space<vmem>>
    %dma_wait3A_34 = arith.constant 0 : i32
    %dma_wait3A_35 = arith.constant 0 : i32
    %dma_wait3A_36 = arith.constant 0 : i32
    %dma_wait3A_37 = tpu.memref_slice %arg4[%select_n3A, %dma_wait3A_34, %rem3A_27, %dma_wait3A_35, %dma_wait3A_36] : memref<26x8x128x8x128xf32, #tpu.memory_space<hbm>> -> memref<1x8x1x8x128xf32, #tpu.memory_space<hbm>>
    %dma_wait3A_38 = tpu.memref_squeeze %dma_wait3A_37 : memref<1x8x1x8x128xf32, #tpu.memory_space<hbm>> -> memref<8x8x128xf32, #tpu.memory_space<hbm>>
    %dma_wait3A_39 = tpu.memref_slice %arg9[%dma_wait3A_28] : memref<4x!tpu.dma_semaphore, #tpu.memory_space<semaphore_mem>> -> memref<1x!tpu.dma_semaphore, #tpu.memory_space<semaphore_mem>>
    %dma_wait3A_40 = tpu.memref_squeeze %dma_wait3A_39 : memref<1x!tpu.dma_semaphore, #tpu.memory_space<semaphore_mem>> -> memref<!tpu.dma_semaphore, #tpu.memory_space<semaphore_mem>>
    %dma_wait3A_41 = arith.constant 0 : i32
    %dma_wait3A_42 = arith.constant 0 : i32
    %dma_wait3A_43 = arith.constant 0 : i32
    %dma_wait3A_44 = tpu.memref_slice %arg4[%select_n3A, %dma_wait3A_41, %rem3A_27, %dma_wait3A_42, %dma_wait3A_43] : memref<26x8x128x8x128xf32, #tpu.memory_space<hbm>> -> memref<1x8x1x8x128xf32, #tpu.memory_space<hbm>>
    %dma_wait3A_45 = tpu.memref_squeeze %dma_wait3A_44 : memref<1x8x1x8x128xf32, #tpu.memory_space<hbm>> -> memref<8x8x128xf32, #tpu.memory_space<hbm>>
    %dma_wait3A_46 = arith.constant 0 : i32
    %dma_wait3A_47 = arith.constant 0 : i32
    %dma_wait3A_48 = arith.constant 0 : i32
    %dma_wait3A_49 = tpu.memref_slice %arg7[%dma_wait3A, %dma_wait3A_46, %dma_wait3A_47, %dma_wait3A_48] : memref<4x8x8x128xf32, #tpu.memory_space<vmem>> -> memref<1x8x8x128xf32, #tpu.memory_space<vmem>>
    %dma_wait3A_50 = tpu.memref_squeeze %dma_wait3A_49 : memref<1x8x8x128xf32, #tpu.memory_space<vmem>> -> memref<8x8x128xf32, #tpu.memory_space<vmem>>
    tpu.wait_dma2 semaphore(%dma_wait3A_40 : memref<!tpu.dma_semaphore, #tpu.memory_space<semaphore_mem>>) src(%dma_wait3A_50 : memref<8x8x128xf32, #tpu.memory_space<vmem>>) dst(%dma_wait3A_45 : memref<8x8x128xf32, #tpu.memory_space<hbm>>)
    %add3A_51 = arith.constant 0 : i32
    %add3A_52 = arith.addi %mul3A_2, %add3A_51 : i32
    %jit3A_53 = arith.constant 128 : i32
    %div3A_54 = arith.divsi %add3A_52, %jit3A_53 : i32
    %sign3A_55 = arith.constant 0 : i32
    %sign3A_56 = arith.cmpi sgt, %add3A_52, %sign3A_55 : i32
    %sign3A_57 = arith.extui %sign3A_56 : i1 to i32
    %sign3A_58 = arith.constant 0 : i32
    %sign3A_59 = arith.cmpi slt, %add3A_52, %sign3A_58 : i32
    %sign3A_60 = arith.extui %sign3A_59 : i1 to i32
    %sign3A_61 = arith.subi %sign3A_57, %sign3A_60 : i32
    %sign3A_62 = arith.constant 0 : i32
    %sign3A_63 = arith.cmpi sgt, %jit3A_53, %sign3A_62 : i32
    %sign3A_64 = arith.extui %sign3A_63 : i1 to i32
    %sign3A_65 = arith.constant 0 : i32
    %sign3A_66 = arith.cmpi slt, %jit3A_53, %sign3A_65 : i32
    %sign3A_67 = arith.extui %sign3A_66 : i1 to i32
    %sign3A_68 = arith.subi %sign3A_64, %sign3A_67 : i32
    %ne3A_69 = arith.cmpi ne, %sign3A_61, %sign3A_68 : i32
    %rem3A_70 = arith.remsi %add3A_52, %jit3A_53 : i32
    %ne3A_71 = arith.constant 0 : i32
    %ne3A_72 = arith.cmpi ne, %rem3A_70, %ne3A_71 : i32
    %and3A_73 = arith.andi %ne3A_69, %ne3A_72 : i1
    %sub3A_74 = arith.constant 1 : i32
    %sub3A_75 = arith.subi %div3A_54, %sub3A_74 : i32
    %select_n3A_76 = arith.select %and3A_73, %sub3A_75, %div3A_54 : i32
    %rem3A_77 = arith.constant 128 : i32
    %rem3A_78 = arith.remsi %add3A_52, %rem3A_77 : i32
    %dma_wait3A_79 = arith.constant 1 : i32
    %dma_wait3A_80 = arith.constant 1 : i32
    %dma_wait3A_81 = arith.constant 0 : i32
    %dma_wait3A_82 = arith.constant 0 : i32
    %dma_wait3A_83 = arith.constant 0 : i32
    %dma_wait3A_84 = tpu.memref_slice %arg7[%dma_wait3A_79, %dma_wait3A_81, %dma_wait3A_82, %dma_wait3A_83] : memref<4x8x8x128xf32, #tpu.memory_space<vmem>> -> memref<1x8x8x128xf32, #tpu.memory_space<vmem>>
    %dma_wait3A_85 = tpu.memref_squeeze %dma_wait3A_84 : memref<1x8x8x128xf32, #tpu.memory_space<vmem>> -> memref<8x8x128xf32, #tpu.memory_space<vmem>>
    %dma_wait3A_86 = arith.constant 0 : i32
    %dma_wait3A_87 = arith.constant 0 : i32
    %dma_wait3A_88 = arith.constant 0 : i32
    %dma_wait3A_89 = tpu.memref_slice %arg4[%select_n3A_76, %dma_wait3A_86, %rem3A_78, %dma_wait3A_87, %dma_wait3A_88] : memref<26x8x128x8x128xf32, #tpu.memory_space<hbm>> -> memref<1x8x1x8x128xf32, #tpu.memory_space<hbm>>
    %dma_wait3A_90 = tpu.memref_squeeze %dma_wait3A_89 : memref<1x8x1x8x128xf32, #tpu.memory_space<hbm>> -> memref<8x8x128xf32, #tpu.memory_space<hbm>>
    %dma_wait3A_91 = tpu.memref_slice %arg9[%dma_wait3A_80] : memref<4x!tpu.dma_semaphore, #tpu.memory_space<semaphore_mem>> -> memref<1x!tpu.dma_semaphore, #tpu.memory_space<semaphore_mem>>
    %dma_wait3A_92 = tpu.memref_squeeze %dma_wait3A_91 : memref<1x!tpu.dma_semaphore, #tpu.memory_space<semaphore_mem>> -> memref<!tpu.dma_semaphore, #tpu.memory_space<semaphore_mem>>
    %dma_wait3A_93 = arith.constant 0 : i32
    %dma_wait3A_94 = arith.constant 0 : i32
    %dma_wait3A_95 = arith.constant 0 : i32
    %dma_wait3A_96 = tpu.memref_slice %arg4[%select_n3A_76, %dma_wait3A_93, %rem3A_78, %dma_wait3A_94, %dma_wait3A_95] : memref<26x8x128x8x128xf32, #tpu.memory_space<hbm>> -> memref<1x8x1x8x128xf32, #tpu.memory_space<hbm>>
    %dma_wait3A_97 = tpu.memref_squeeze %dma_wait3A_96 : memref<1x8x1x8x128xf32, #tpu.memory_space<hbm>> -> memref<8x8x128xf32, #tpu.memory_space<hbm>>
    %dma_wait3A_98 = arith.constant 0 : i32
    %dma_wait3A_99 = arith.constant 0 : i32
    %dma_wait3A_100 = arith.constant 0 : i32
    %dma_wait3A_101 = tpu.memref_slice %arg7[%dma_wait3A_79, %dma_wait3A_98, %dma_wait3A_99, %dma_wait3A_100] : memref<4x8x8x128xf32, #tpu.memory_space<vmem>> -> memref<1x8x8x128xf32, #tpu.memory_space<vmem>>
    %dma_wait3A_102 = tpu.memref_squeeze %dma_wait3A_101 : memref<1x8x8x128xf32, #tpu.memory_space<vmem>> -> memref<8x8x128xf32, #tpu.memory_space<vmem>>
    tpu.wait_dma2 semaphore(%dma_wait3A_92 : memref<!tpu.dma_semaphore, #tpu.memory_space<semaphore_mem>>) src(%dma_wait3A_102 : memref<8x8x128xf32, #tpu.memory_space<vmem>>) dst(%dma_wait3A_97 : memref<8x8x128xf32, #tpu.memory_space<hbm>>)
    %add3A_103 = arith.constant 0 : i32
    %add3A_104 = arith.addi %mul3A_2, %add3A_103 : i32
    %jit3A_105 = arith.constant 128 : i32
    %div3A_106 = arith.divsi %add3A_104, %jit3A_105 : i32
    %sign3A_107 = arith.constant 0 : i32
    %sign3A_108 = arith.cmpi sgt, %add3A_104, %sign3A_107 : i32
    %sign3A_109 = arith.extui %sign3A_108 : i1 to i32
    %sign3A_110 = arith.constant 0 : i32
    %sign3A_111 = arith.cmpi slt, %add3A_104, %sign3A_110 : i32
    %sign3A_112 = arith.extui %sign3A_111 : i1 to i32
    %sign3A_113 = arith.subi %sign3A_109, %sign3A_112 : i32
    %sign3A_114 = arith.constant 0 : i32
    %sign3A_115 = arith.cmpi sgt, %jit3A_105, %sign3A_114 : i32
    %sign3A_116 = arith.extui %sign3A_115 : i1 to i32
    %sign3A_117 = arith.constant 0 : i32
    %sign3A_118 = arith.cmpi slt, %jit3A_105, %sign3A_117 : i32
    %sign3A_119 = arith.extui %sign3A_118 : i1 to i32
    %sign3A_120 = arith.subi %sign3A_116, %sign3A_119 : i32
    %ne3A_121 = arith.cmpi ne, %sign3A_113, %sign3A_120 : i32
    %rem3A_122 = arith.remsi %add3A_104, %jit3A_105 : i32
    %ne3A_123 = arith.constant 0 : i32
    %ne3A_124 = arith.cmpi ne, %rem3A_122, %ne3A_123 : i32
    %and3A_125 = arith.andi %ne3A_121, %ne3A_124 : i1
    %sub3A_126 = arith.constant 1 : i32
    %sub3A_127 = arith.subi %div3A_106, %sub3A_126 : i32
    %select_n3A_128 = arith.select %and3A_125, %sub3A_127, %div3A_106 : i32
    %rem3A_129 = arith.constant 128 : i32
    %rem3A_130 = arith.remsi %add3A_104, %rem3A_129 : i32
    %dma_wait3A_131 = arith.constant 2 : i32
    %dma_wait3A_132 = arith.constant 2 : i32
    %dma_wait3A_133 = arith.constant 0 : i32
    %dma_wait3A_134 = arith.constant 0 : i32
    %dma_wait3A_135 = arith.constant 0 : i32
    %dma_wait3A_136 = tpu.memref_slice %arg7[%dma_wait3A_131, %dma_wait3A_133, %dma_wait3A_134, %dma_wait3A_135] : memref<4x8x8x128xf32, #tpu.memory_space<vmem>> -> memref<1x8x8x128xf32, #tpu.memory_space<vmem>>
    %dma_wait3A_137 = tpu.memref_squeeze %dma_wait3A_136 : memref<1x8x8x128xf32, #tpu.memory_space<vmem>> -> memref<8x8x128xf32, #tpu.memory_space<vmem>>
    %dma_wait3A_138 = arith.constant 0 : i32
    %dma_wait3A_139 = arith.constant 0 : i32
    %dma_wait3A_140 = arith.constant 0 : i32
    %dma_wait3A_141 = tpu.memref_slice %arg4[%select_n3A_128, %dma_wait3A_138, %rem3A_130, %dma_wait3A_139, %dma_wait3A_140] : memref<26x8x128x8x128xf32, #tpu.memory_space<hbm>> -> memref<1x8x1x8x128xf32, #tpu.memory_space<hbm>>
    %dma_wait3A_142 = tpu.memref_squeeze %dma_wait3A_141 : memref<1x8x1x8x128xf32, #tpu.memory_space<hbm>> -> memref<8x8x128xf32, #tpu.memory_space<hbm>>
    %dma_wait3A_143 = tpu.memref_slice %arg9[%dma_wait3A_132] : memref<4x!tpu.dma_semaphore, #tpu.memory_space<semaphore_mem>> -> memref<1x!tpu.dma_semaphore, #tpu.memory_space<semaphore_mem>>
    %dma_wait3A_144 = tpu.memref_squeeze %dma_wait3A_143 : memref<1x!tpu.dma_semaphore, #tpu.memory_space<semaphore_mem>> -> memref<!tpu.dma_semaphore, #tpu.memory_space<semaphore_mem>>
    %dma_wait3A_145 = arith.constant 0 : i32
    %dma_wait3A_146 = arith.constant 0 : i32
    %dma_wait3A_147 = arith.constant 0 : i32
    %dma_wait3A_148 = tpu.memref_slice %arg4[%select_n3A_128, %dma_wait3A_145, %rem3A_130, %dma_wait3A_146, %dma_wait3A_147] : memref<26x8x128x8x128xf32, #tpu.memory_space<hbm>> -> memref<1x8x1x8x128xf32, #tpu.memory_space<hbm>>
    %dma_wait3A_149 = tpu.memref_squeeze %dma_wait3A_148 : memref<1x8x1x8x128xf32, #tpu.memory_space<hbm>> -> memref<8x8x128xf32, #tpu.memory_space<hbm>>
    %dma_wait3A_150 = arith.constant 0 : i32
    %dma_wait3A_151 = arith.constant 0 : i32
    %dma_wait3A_152 = arith.constant 0 : i32
    %dma_wait3A_153 = tpu.memref_slice %arg7[%dma_wait3A_131, %dma_wait3A_150, %dma_wait3A_151, %dma_wait3A_152] : memref<4x8x8x128xf32, #tpu.memory_space<vmem>> -> memref<1x8x8x128xf32, #tpu.memory_space<vmem>>
    %dma_wait3A_154 = tpu.memref_squeeze %dma_wait3A_153 : memref<1x8x8x128xf32, #tpu.memory_space<vmem>> -> memref<8x8x128xf32, #tpu.memory_space<vmem>>
    tpu.wait_dma2 semaphore(%dma_wait3A_144 : memref<!tpu.dma_semaphore, #tpu.memory_space<semaphore_mem>>) src(%dma_wait3A_154 : memref<8x8x128xf32, #tpu.memory_space<vmem>>) dst(%dma_wait3A_149 : memref<8x8x128xf32, #tpu.memory_space<hbm>>)
    %add3A_155 = arith.constant 0 : i32
    %add3A_156 = arith.addi %mul3A_2, %add3A_155 : i32
    %jit3A_157 = arith.constant 128 : i32
    %div3A_158 = arith.divsi %add3A_156, %jit3A_157 : i32
    %sign3A_159 = arith.constant 0 : i32
    %sign3A_160 = arith.cmpi sgt, %add3A_156, %sign3A_159 : i32
    %sign3A_161 = arith.extui %sign3A_160 : i1 to i32
    %sign3A_162 = arith.constant 0 : i32
    %sign3A_163 = arith.cmpi slt, %add3A_156, %sign3A_162 : i32
    %sign3A_164 = arith.extui %sign3A_163 : i1 to i32
    %sign3A_165 = arith.subi %sign3A_161, %sign3A_164 : i32
    %sign3A_166 = arith.constant 0 : i32
    %sign3A_167 = arith.cmpi sgt, %jit3A_157, %sign3A_166 : i32
    %sign3A_168 = arith.extui %sign3A_167 : i1 to i32
    %sign3A_169 = arith.constant 0 : i32
    %sign3A_170 = arith.cmpi slt, %jit3A_157, %sign3A_169 : i32
    %sign3A_171 = arith.extui %sign3A_170 : i1 to i32
    %sign3A_172 = arith.subi %sign3A_168, %sign3A_171 : i32
    %ne3A_173 = arith.cmpi ne, %sign3A_165, %sign3A_172 : i32
    %rem3A_174 = arith.remsi %add3A_156, %jit3A_157 : i32
    %ne3A_175 = arith.constant 0 : i32
    %ne3A_176 = arith.cmpi ne, %rem3A_174, %ne3A_175 : i32
    %and3A_177 = arith.andi %ne3A_173, %ne3A_176 : i1
    %sub3A_178 = arith.constant 1 : i32
    %sub3A_179 = arith.subi %div3A_158, %sub3A_178 : i32
    %select_n3A_180 = arith.select %and3A_177, %sub3A_179, %div3A_158 : i32
    %rem3A_181 = arith.constant 128 : i32
    %rem3A_182 = arith.remsi %add3A_156, %rem3A_181 : i32
    %dma_wait3A_183 = arith.constant 3 : i32
    %dma_wait3A_184 = arith.constant 3 : i32
    %dma_wait3A_185 = arith.constant 0 : i32
    %dma_wait3A_186 = arith.constant 0 : i32
    %dma_wait3A_187 = arith.constant 0 : i32
    %dma_wait3A_188 = tpu.memref_slice %arg7[%dma_wait3A_183, %dma_wait3A_185, %dma_wait3A_186, %dma_wait3A_187] : memref<4x8x8x128xf32, #tpu.memory_space<vmem>> -> memref<1x8x8x128xf32, #tpu.memory_space<vmem>>
    %dma_wait3A_189 = tpu.memref_squeeze %dma_wait3A_188 : memref<1x8x8x128xf32, #tpu.memory_space<vmem>> -> memref<8x8x128xf32, #tpu.memory_space<vmem>>
    %dma_wait3A_190 = arith.constant 0 : i32
    %dma_wait3A_191 = arith.constant 0 : i32
    %dma_wait3A_192 = arith.constant 0 : i32
    %dma_wait3A_193 = tpu.memref_slice %arg4[%select_n3A_180, %dma_wait3A_190, %rem3A_182, %dma_wait3A_191, %dma_wait3A_192] : memref<26x8x128x8x128xf32, #tpu.memory_space<hbm>> -> memref<1x8x1x8x128xf32, #tpu.memory_space<hbm>>
    %dma_wait3A_194 = tpu.memref_squeeze %dma_wait3A_193 : memref<1x8x1x8x128xf32, #tpu.memory_space<hbm>> -> memref<8x8x128xf32, #tpu.memory_space<hbm>>
    %dma_wait3A_195 = tpu.memref_slice %arg9[%dma_wait3A_184] : memref<4x!tpu.dma_semaphore, #tpu.memory_space<semaphore_mem>> -> memref<1x!tpu.dma_semaphore, #tpu.memory_space<semaphore_mem>>
    %dma_wait3A_196 = tpu.memref_squeeze %dma_wait3A_195 : memref<1x!tpu.dma_semaphore, #tpu.memory_space<semaphore_mem>> -> memref<!tpu.dma_semaphore, #tpu.memory_space<semaphore_mem>>
    %dma_wait3A_197 = arith.constant 0 : i32
    %dma_wait3A_198 = arith.constant 0 : i32
    %dma_wait3A_199 = arith.constant 0 : i32
    %dma_wait3A_200 = tpu.memref_slice %arg4[%select_n3A_180, %dma_wait3A_197, %rem3A_182, %dma_wait3A_198, %dma_wait3A_199] : memref<26x8x128x8x128xf32, #tpu.memory_space<hbm>> -> memref<1x8x1x8x128xf32, #tpu.memory_space<hbm>>
    %dma_wait3A_201 = tpu.memref_squeeze %dma_wait3A_200 : memref<1x8x1x8x128xf32, #tpu.memory_space<hbm>> -> memref<8x8x128xf32, #tpu.memory_space<hbm>>
    %dma_wait3A_202 = arith.constant 0 : i32
    %dma_wait3A_203 = arith.constant 0 : i32
    %dma_wait3A_204 = arith.constant 0 : i32
    %dma_wait3A_205 = tpu.memref_slice %arg7[%dma_wait3A_183, %dma_wait3A_202, %dma_wait3A_203, %dma_wait3A_204] : memref<4x8x8x128xf32, #tpu.memory_space<vmem>> -> memref<1x8x8x128xf32, #tpu.memory_space<vmem>>
    %dma_wait3A_206 = tpu.memref_squeeze %dma_wait3A_205 : memref<1x8x8x128xf32, #tpu.memory_space<vmem>> -> memref<8x8x128xf32, #tpu.memory_space<vmem>>
    tpu.wait_dma2 semaphore(%dma_wait3A_196 : memref<!tpu.dma_semaphore, #tpu.memory_space<semaphore_mem>>) src(%dma_wait3A_206 : memref<8x8x128xf32, #tpu.memory_space<vmem>>) dst(%dma_wait3A_201 : memref<8x8x128xf32, #tpu.memory_space<hbm>>)
    return
  }
}

</mosaic_0001>

<sc_bundles>
// kernel: kernel.4.cloned.1.call-start
scs
__scs_entry_jumppad:
0x0: {  	(pc) =	sbr.rel $0x88, $3  }
0x1: {  	(tag) =	ssettag $0x0;
	lr =	simm.s32 $0x1  }
0x2: {  	[smem:$0x3F9F] =	sst lr;
	_ =	strace $0xD0000000  }
0x3: {  	_ = 	snop  }
0x4: {  	_ = 	snop  }
0x5: {  	_ = 	snop  }
0x6: {  	_ = 	snop  }
0x7: {  	_ = 	snop  }
__scs_overlays_trampoline_lowered:
0x8: {  	[smem:$0x3FAE] =	sst s0  }
0x9: {  	[smem:$0x3FAF] =	sst s1  }
0xa: {  	[smem:$0x3FB0] =	sst s2  }
0xb: {  	[smem:$0x3FB1] =	sst s3  }
0xc: {  	[smem:$0x3FB2] =	sst s4  }
0xd: {  	[smem:$0x3FB3] =	sst s5  }
0xe: {  	[smem:$0x3FB4] =	sst s6  }
0xf: {  	[smem:$0x3FB5] =	sst s7  }
0x10: {  	[smem:$0x3FB6] =	sst s8  }
0x11: {  	[smem:$0x3FB7] =	sst s9;
	s0 =	simm.s32 @!p0 $0x0  }
0x12: {  	s1 =	sld [smem:$0x3F9D];
	s0 =	simm.s32 @p0 $0x1  }
0x13: {  	[smem:$0x3FB8] =	sst s0;
	s0 =	simm.s32 @!p1 $0x0  }
0x14: {  	s2 =	sld [smem:$0x3F9C];
	s0 =	simm.s32 @p1 $0x1  }
0x15: {  	[smem:$0x3FB9] =	sst s0;
	s0 =	simm.s32 @!p2 $0x0  }
0x16: {  	s3 =	sld [smem:$0x3FDB];
	s0 =	simm.s32 @p2 $0x1  }
0x17: {  	s4 =	simm.s32 $0x1BF5;
	[smem:$0x3FBB] =	sst s0  }
0x18: {  	s0 =	sld [smem:$0x3F9E];
	_ =	swait.ge [sflag:s4], $0x0  }
0x19: {  	s7 =	sld [smem:$0x3F9F]  }
0x1a: {  	s8 =	sadd.s32 $0xFFFFE003, lr  }
0x1b: {  	s9 =	sadd.s32 $0xFFFFFEF7, lr;
	s5 =	simm.s32 $0xFFFFFFFF;
	p2 =	slt.u32 s8, $0xFFFFF086  }
0x1c: {  	p1 =	slt.u32 s9, $0xF7A;
	s5 =	simm.s32 @!p2 $0x0  }
0x1d: {  	s5 =	simm.s32 @p1 $0x1;
	p0 =	seq.s32 s7, s2  }
0x1e: {  	s7 =	smul.u32 @!p0 $0xF7A, s2;
	p2 =	seq.s32 @!p0 s5, $0x0  }
0x1f: {  	s9 =	smul.u32 $0xF7A, s1;
	s8 =	simm.s32 @!p0 $0x1BF5;
	p2 =	por !p2, p0  }
0x20: {  	[sflag:s8] =	ssyncset.s32 @!p0 $0xFFFFF086;
	s6 =	sadd.s32 @!p0 s3, s7;
	s7 =	simm.s32 @!p0 $0x108  }
0x21: {  	s3 =	sadd.s32 s3, s9;
	s6 =	sadd.s32 @!p0 $0x88, s6;
	s7 =	simm.s32 @p2 $0x1082  }
0x22: {  	[simem:s7], [sflag:s8] =	dma.local @!p0 [hbm:s6], $0xF7A  }
0x23: {  	s9 =	sor.u32 $0xD0000000, s2;
	s6 =	simm.s32 $0x108;
	_ =	swait.ge @!p0 [sflag:s8], $0x0  }
0x24: {  	s3 =	sadd.s32 $0x88, s3;
	s6 =	simm.s32 @!p1 $0x1082;
	[sflag:s4] =	ssyncset.s32 $0xFFFFF086  }
0x25: {  	[simem:s6], [sflag:s4] =	dma.local [hbm:s3], $0xF7A  }
0x26: {  	[smem:$0x3F9F] =	sst s1;
	(tag) =	ssettag s2;
	_ =	strace s9  }
0x27: {  	s1 =	sld [smem:$0x3FAF]  }
0x28: {  	s2 =	sld [smem:$0x3FB0]  }
0x29: {  	s4 =	sld [smem:$0x3FB2]  }
0x2a: {  	p0 =	seq.s32 s5, $0x0;
	s5 =	sld [smem:$0x3FB3]  }
0x2b: {  	s6 =	sld [smem:$0x3FB4]  }
0x2c: {  	s7 =	sld [smem:$0x3FB5]  }
0x2d: {  	s3 =	simm.s32 $0x108;
	s8 =	sld [smem:$0x3FB6]  }
0x2e: {  	s3 =	simm.s32 @!p0 $0x1082;
	s9 =	sld [smem:$0x3FB7]  }
0x2f: {  	lr =	sadd.s32 s0, s3;
	s0 =	sld [smem:$0x3FAE]  }
0x30: {  	s3 =	sld [smem:$0x3FB1]  }
0x31: {  	[smem:$0x3FBA] =	sst s10  }
0x32: {  	s10 =	sld [smem:$0x3FB8];
	_ =	sdelay $0x3  }
0x33: {  	p0 =	seq.s32 s10, $0x1;
	s10 =	sld [smem:$0x3FBA];
	_ =	sdelay $0x3  }
0x34: {  	[smem:$0x3FBA] =	sst s10  }
0x35: {  	s10 =	sld [smem:$0x3FB9];
	_ =	sdelay $0x3  }
0x36: {  	p1 =	seq.s32 s10, $0x1;
	s10 =	sld [smem:$0x3FBA];
	_ =	sdelay $0x3  }
0x37: {  	[smem:$0x3FBA] =	sst s10  }
0x38: {  	s10 =	sld [smem:$0x3FBB]  }
0x39: {  	_ = 	snop;
	(pc) =	sbr.ind lr, $3  }
0x3a: {  	_ = 	snop  }
0x3b: {  	_ = 	snop  }
0x3c: {  	p2 =	seq.s32 s10, $0x1;
	s10 =	sld [smem:$0x3FBA]  }
0x3d: {  	_ =	shalt  }
0x3e: {  	_ =	shalt  }
0x3f: {  	_ =	shalt  }
0x40: {  	_ =	shalt  }
0x41: {  	_ =	shalt  }
0x42: {  	_ =	shalt  }
0x43: {  	_ =	shalt  }
0x44: {  	_ =	shalt  }
0x45: {  	_ =	shalt  }
0x46: {  	_ =	shalt  }
0x47: {  	_ =	shalt  }
0x48: {  	_ =	shalt  }
0x49: {  	_ =	shalt  }
0x4a: {  	_ =	shalt  }
0x4b: {  	_ =	shalt  }
0x4c: {  	_ =	shalt  }
0x4d: {  	_ =	shalt  }
0x4e: {  	_ =	shalt  }
0x4f: {  	_ =	shalt  }
0x50: {  	_ =	shalt  }
0x51: {  	_ =	shalt  }
0x52: {  	_ =	shalt  }
0x53: {  	_ =	shalt  }
0x54: {  	_ =	shalt  }
0x55: {  	_ =	shalt  }
0x56: {  	_ =	shalt  }
0x57: {  	_ =	shalt  }
0x58: {  	_ =	shalt  }
0x59: {  	_ =	shalt  }
0x5a: {  	_ =	shalt  }
0x5b: {  	_ =	shalt  }
0x5c: {  	_ =	shalt  }
0x5d: {  	_ =	shalt  }
0x5e: {  	_ =	shalt  }
0x5f: {  	_ =	shalt  }
0x60: {  	_ =	shalt  }
0x61: {  	_ =	shalt  }
0x62: {  	_ =	shalt  }
0x63: {  	_ =	shalt  }
0x64: {  	_ =	shalt  }
0x65: {  	_ =	shalt  }
0x66: {  	_ =	shalt  }
0x67: {  	_ =	shalt  }
0x68: {  	_ =	shalt  }
0x69: {  	_ =	shalt  }
0x6a: {  	_ =	shalt  }
0x6b: {  	_ =	shalt  }
0x6c: {  	_ =	shalt  }
0x6d: {  	_ =	shalt  }
0x6e: {  	_ =	shalt  }
0x6f: {  	_ =	shalt  }
0x70: {  	_ =	shalt  }
0x71: {  	_ =	shalt  }
0x72: {  	_ =	shalt  }
0x73: {  	_ =	shalt  }
0x74: {  	_ =	shalt  }
0x75: {  	_ =	shalt  }
0x76: {  	_ =	shalt  }
0x77: {  	_ =	shalt  }
0x78: {  	_ =	shalt  }
0x79: {  	_ =	shalt  }
0x7a: {  	_ =	shalt  }
0x7b: {  	_ =	shalt  }
0x7c: {  	_ =	shalt  }
0x7d: {  	_ =	shalt  }
0x7e: {  	_ =	shalt  }
0x7f: {  	_ =	shalt  }
0x80: {  	_ =	shalt  }
0x81: {  	_ =	shalt  }
0x82: {  	_ =	shalt  }
0x83: {  	_ =	shalt  }
0x84: {  	_ =	shalt  }
0x85: {  	_ =	shalt  }
0x86: {  	_ =	shalt  }
0x87: {  	_ =	shalt  }
.Lfunc_end0:
.L_simem_size_0:
called_computation_lowered:
.L_overlay_start_0:
0x88: {  	s2 =	sld [smem:$0x3FD9]  }
0x89: {  	s3 =	sld [smem:$0x3FFE];
	_ =	sdelay $0x1  }
0x8a: {  	s1 =	srdreg.scid  }
0x8b: {  	s0 =	sand.u32 $0x1, s1  }
0x8c: {  	s17 =	sshll.u32 s0, $0xA;
	s2 =	sadd.s32 s3, s2  }
0x8d: {  	s2 =	sadd.s32 s2, s17  }
0x8e: {  	[smem:$0x3FC6] =	sst s2  }
0x8f: {  	_ = 	snop  }
0x90: {  	s2 =	sld [smem:$0x3FC8]  }
0x91: {  	s18 =	sld [smem:$0x3FD0];
	(tm) =	ssettm $0x1  }
0x92: {  	s4 =	sld [smem:$0x3FFB];
	_ =	sdelay $0x3  }
0x93: {  	_ =	strace s4  }
0x94: {  	s4 =	sld [smem:$0x3FFC];
	_ =	sdelay $0x3  }
0x95: {  	_ =	strace s4  }
0x96: {  	s4 =	sld [smem:$0x3FFD];
	_ =	sdelay $0x3  }
0x97: {  	_ =	strace s4  }
0x98: {  	_ =	strace $0x8FFFFFFF  }
0x99: {  	s19 =	sld [smem:$0x3FDB];
	_ =	sdelay $0x1  }
0x9a: {  	s5 =	simm.s32 $_scs_section_size  }
0x9b: {  	s6 =	simm.s32 $_size__tile_overlayer_lowered;
	s7 =	simm.s32 $_tile_overlayer_lowered  }
0x9c: {  	s22 =	simm.s32 $0x1BFF;
	s21 =	sshll.u32 s7, $0x1;
	s4 =	sadd.s32 s5, s19  }
0x9d: {  	s8 =	simm.s32 $0x0;
	s20 =	sshll.u32 s6, $0x1;
	s6 =	sadd.s32 s21, s4  }
0x9e: {  	[timem:s8], [sflag:s22] =	dma.local [hbm:s6], s20  }
0x9f: {  	_ =	swait.ge [sflag:s22], s20  }
0xa0: {  	s5 =	ssub.s32 $0x0, s20;
	[sflag:s22] =	ssyncset.done $0x0  }
0xa1: {  	[sflag:s22] =	ssyncadd.s32 s5;
	_ =	sdelay $0x1  }
0xa2: {  	s23 =	simm.s32 $0x1B8B  }
0xa3: {  	_ =	swait.ge [sflag:s23], $0x1  }
0xa4: {  	[sflag:s23] =	ssyncset.done $0x0  }
0xa5: {  	s25 =	simm.s32 $0x1B8E;
	s24 =	sld [smem:$0x3FFE];
	[sflag:s23] =	ssyncadd.s32 $0xFFFFFFFF  }
0xa6: {  	s26 =	simm.s32 $execute0_lowered;
	[smem:$0x3FD2] =	sst s25  }
0xa7: {  	s6 =	sshll.u32 s26, $0x1;
	_ =	strace $0x80000046;
	[dreg:$0x1] =	wrdreg $0xFFFFFFFF  }
0xa8: {  	s28 =	simm.s32 $_size_execute0_lowered;
	s4 =	sadd.s32 s4, s6;
	[dreg:$0x0] =	wrdreg $0x0  }
0xa9: {  	s6 =	sshll.u32 s28, $0x1;
	[dreg:$0x2] =	wrdreg s4  }
0xaa: {  	[dreg:$0x3] =	wrdreg s6  }
0xab: {  	[dreg:$0x4] =	wrdreg $0xC0  }
0xac: {  	_ =	task [dreg:s8], $0x5FFFF  }
0xad: {  	[dreg:$0x1] =	wrdreg $0xFFFFFFFF  }
0xae: {  	[dreg:$0x0] =	wrdreg $0x60  }
0xaf: {  	[dreg:$0x2] =	wrdreg s2  }
0xb0: {  	[dreg:$0x3] =	wrdreg s18  }
0xb1: {  	[dreg:$0x4] =	wrdreg s24  }
0xb2: {  	[dreg:$0x5] =	wrdreg $0x9  }
0xb3: {  	_ =	task.clear_ibuf [dreg:s8], $0x6FFFF;
	_ =	strace $0x90000046  }
0xb4: {  	s29 =	simm.s32 $0x9;
	_ =	strace $0x80000048  }
0xb5: {  	_ =	swait.ge [sflag:s29], $0x1  }
0xb6: {  	[sflag:s29] =	ssyncadd.s32 $0xFFFFFFFF  }
0xb7: {  	_ =	strace $0x90000048  }
0xb8: {  	_ =	sfence  }
0xb9: {  	s30 =	sld [smem:$0x0];
	_ =	sdelay $0x2  }
0xba: {  	s31 =	sshll.u32 s1, $0xD;
	s1 =	sshrl.u32 s1, $0x2  }
0xbb: {  	s3 =	sand.u32 $0x4000, s31;
	s1 =	sadd.s32 s1, s30  }
0xbc: {  	s0 =	sor.u32 s3, s0;
	s1 =	sshll.u32 s1, $0x11  }
0xbd: {  	s0 =	sor.u32 s1, s0  }
0xbe: {  	s0 =	sadd.s32 $0x8F2B, s0  }
0xbf: {  	[sflag:s0] =	ssyncadd.remote.s32 $0x1  }
0xc0: {  	_ =	sfence.sel $0xFFFF  }
0xc1: {  	[dreg:$0x0] =	wrdreg $0xFFFFFFFF;
	(pc) =	sbr.abs _section_cstart, $3  }
0xc2: {  	[dreg:$0x1] =	wrdreg $0xFFFFFFFF  }
0xc3: {  	_ =	task.clear_ibuf [dreg:s8], $0x2FFFF;
	_ =	strace $0x9FFFFFFF  }
0xc4: {  	(tm) =	ssettm $0x7FFFFFFF  }
0xc5: {  	_ =	shalt  }
tec
execute0_lowered:
.L_overlay_start_1:
0x0: {  	(tag) =	ssettag $0x1  }
0x1: {  	v0 =	vimm.s32 $0xB80;
	vm14 =	vcmask $0x300  }
0x2: {  	vm13 =	vcmask $0x704;
	vm12 =	vcmask $0xB08;
	vm11 =	vcmask $0xF0C  }
0x3: {  	vm10 =	vcmask $0x1310;
	vm9 =	vcmask $0x1714;
	vm8 =	vcmask $0x1B18  }
0x4: {  	vm7 =	vcmask $0x1F1C;
	vm6 =	vcmask $0x2320;
	vm5 =	vcmask $0x2724  }
0x5: {  	vm4 =	vcmask $0x2B28;
	vm3 =	vcmask $0x2F2C;
	vm2 =	vcmask $0x3330  }
0x6: {  	vm1 =	vcmask $0x3734;
	vm0 =	vcmask $0x3B38;
	v2 =	vimm.s32 $0x1B80  }
0x7: {  	v3 =	vimm.s32 $0x2B80;
	v4 =	vimm.s32 $0x3B80;
	v0 =	vsel vm14, $0x0, v0  }
0x8: {  	v2 =	vsel vm14, $0x1000, v2;
	v3 =	vsel vm14, $0x2000, v3;
	v4 =	vsel vm14, $0x3000, v4  }
0x9: {  	v0 =	vsel vm13, $0x80, v0;
	v2 =	vsel vm13, $0x1080, v2;
	v3 =	vsel vm13, $0x2080, v3  }
0xa: {  	v4 =	vsel vm13, $0x3080, v4;
	v0 =	vsel vm12, $0x100, v0;
	v2 =	vsel vm12, $0x1100, v2  }
0xb: {  	v3 =	vsel vm12, $0x2100, v3;
	v4 =	vsel vm12, $0x3100, v4;
	v0 =	vsel vm11, $0x180, v0  }
0xc: {  	v2 =	vsel vm11, $0x1180, v2;
	v3 =	vsel vm11, $0x2180, v3;
	v4 =	vsel vm11, $0x3180, v4  }
0xd: {  	v0 =	vsel vm10, $0x200, v0;
	v2 =	vsel vm10, $0x1200, v2;
	v3 =	vsel vm10, $0x2200, v3  }
0xe: {  	v4 =	vsel vm10, $0x3200, v4;
	v0 =	vsel vm9, $0x280, v0;
	v2 =	vsel vm9, $0x1280, v2  }
0xf: {  	v3 =	vsel vm9, $0x2280, v3;
	v4 =	vsel vm9, $0x3280, v4;
	v0 =	vsel vm8, $0x300, v0  }
0x10: {  	v2 =	vsel vm8, $0x1300, v2;
	v3 =	vsel vm8, $0x2300, v3;
	v4 =	vsel vm8, $0x3300, v4  }
0x11: {  	s0 =	rddreg [dreg:$0x0];
	v0 =	vsel vm7, $0x380, v0;
	v2 =	vsel vm7, $0x1380, v2;
	v3 =	vsel vm7, $0x2380, v3  }
0x12: {  	s1 =	rddreg [dreg:$0x1];
	v4 =	vsel vm7, $0x3380, v4;
	v0 =	vsel vm6, $0x800, v0;
	v2 =	vsel vm6, $0x1800, v2  }
0x13: {  	s7 =	rddreg [dreg:$0x2];
	v3 =	vsel vm6, $0x2800, v3;
	v4 =	vsel vm6, $0x3800, v4;
	v0 =	vsel vm5, $0x880, v0  }
0x14: {  	s2 =	rddreg [dreg:$0x3];
	s3 =	simm.s32 $0x0;
	v2 =	vsel vm5, $0x1880, v2;
	v3 =	vsel vm5, $0x2880, v3;
	v4 =	vsel vm5, $0x3880, v4  }
0x15: {  	s4 =	srdreg.scid;
	s14 =	stileid.u32;
	s11 =	simm.s32 $0x800;
	v0 =	vsel vm4, $0x900, v0;
	v2 =	vsel vm4, $0x1900, v2;
	v3 =	vsel vm4, $0x2900, v3  }
0x16: {  	s12 =	simm.s32 $0x8000;
	s13 =	simm.s32 $0x4000;
	[smem:$0x7FF] =	sst s3;
	v4 =	vsel vm4, $0x3900, v4;
	v1 =	vsel vm3, $0x980, v0;
	v0 =	vlaneseq.u32  }
0x17: {  	s4 =	sand.u32 $0x1, s4;
	s5 =	sshll.u32 s14, $0x1;
	p0 =	sne.s32 s14, $0x0;
	v2 =	vsel vm3, $0x1980, v2;
	v3 =	vsel vm3, $0x2980, v3;
	v4 =	vsel vm3, $0x3980, v4  }
.Ltmp0:
0x18: {  	s14 =	simm.s32 $0x0;
	_ =	strace $0x80000047;
	v1 =	vsel vm2, $0xA00, v1;
	v2 =	vsel vm2, $0x1A00, v2;
	v3 =	vsel vm2, $0x2A00, v3;
	(pc) =	sbr.rel .LBB2_1-.Ltmp0, $4  }
0x19: {  	s6 =	ssub.s32 $0x2, s4;
	s4 =	sor.u32 s4, s5;
	s5 =	sadd.s32 $0xA00, s7;
	v6 =	vsel vm2, $0x3A00, v4;
	v7 =	vor.u32 $0x30, v0;
	v1 =	vsel vm1, $0xA80, v1  }
0x1a: {  	s7 =	sadd.s32 $0x7A1A00, s7;
	s8 =	sshrl.u32 s6, $0x1;
	s9 =	sshll.u32 s4, $0x8;
	v2 =	vsel vm1, $0x1A80, v2;
	v5 =	vsel vm1, $0x2A80, v3;
	v3 =	vor.u32 $0x10, v0  }
0x1b: {  	p1 =	sne.s32 s4, $0x0;
	s10 =	ssub.s32 s6, s8;
	s6 =	sadd.s32 s0, s9;
	v6 =	vsel vm1, $0x3A80, v6;
	v1 =	vsel vm0, $0xB00, v1;
	v2 =	vsel vm0, $0x1B00, v2  }
0x1c: {  	s8 =	sor.u32 $0x40, s4;
	s9 =	smax.u32 s10, $0x1;
	s10 =	simm.s32 $0x7A1400;
	v4 =	vsel vm0, $0x2B00, v5;
	v5 =	vor.u32 $0x20, v0;
	v6 =	vsel vm0, $0x3B00, v6  }
.LBB2_15:
0x1d: {  	s15 =	simm.s32 @!p0 $0x3  }
0x1e: {  	_ =	swait.ge @!p0 [sflag:s15], $0x4000  }
0x1f: {  	s16 =	simm.s32 @!p1 $0x10000;
	[sflag:s15] =	ssyncset.done @!p0 $0x0  }
0x20: {  	s17 =	simm.s32 @!p1 $0x5;
	[sflag:s15] =	ssyncadd.s32 @!p0 $0xFFFFC000;
	s15 =	simm.s32 @!p1 $0x0  }
0x21: {  	[tilespmem:s16], [sflag:$0x5] =	stream.linear.gather @!p1 [hbm4b:s1+s15], $0x1000, $0x38;
	[tilespmem:$0x11000] =	vst v63  }
0x22: {  	s14 =	sadd.s32 $0x1, s14;
	_ =	swait.ge @!p1 [sflag:s17], $0x1000  }
0x23: {  	p2 =	sne.s32 s14, s9;
	[sflag:s17] =	ssyncset.done @!p1 $0x0  }
.Ltmp1:
0x24: {  	[sflag:s17] =	ssyncadd.s32 @!p1 $0xFFFFF000;
	(pc) =	sbr.rel @!p2 .LBB2_16-.Ltmp1, $4  }
0x25: {  	[hbm4b:s7+s15] =	stream.linear.scatter @!p1 [tilespmem:s16], [sflag:$0x5], $0x1000, $0x38;
	[tilespmem:$0x11000] =	vst v63  }
0x26: {  	_ =	swait.ge @!p1 [sflag:s17], $0x1000  }
0x27: {  	[sflag:s17] =	ssyncset.done @!p1 $0x0  }
0x28: {  	[sflag:s17] =	ssyncadd.s32 @!p1 $0xFFFFF000  }
.LBB2_1:
.Ltmp2:
0x29: {  	(pc) =	sbr.rel .LBB2_2-.Ltmp2, $3  }
0x2a: {  	_ =	sdelay $0x1  }
0x2b: {  	[tilespmem:s3], [sflag:$0x1] =	stream.strided.gather [hbm4b:s6+s11], $0x4000, s10, s11, $0x38;
	[tilespmem:$0x11000] =	vst v63  }
0x2c: {  	s15 =	simm.s32 $0x0  }
.LBB2_14:
0x2d: {  	s15 =	sadd.s32 $0x1, s15  }
0x2e: {  	p2 =	sne.s32 s15, $0x3E  }
.Ltmp3:
0x2f: {  	_ = 	snop;
	(pc) =	sbr.rel @!p2 .LBB2_15-.Ltmp3, $1  }
0x30: {  	_ =	sdelay $0x3  }
.LBB2_2:
0x31: {  	s17 =	sshll.u32 s15, $0x6  }
0x32: {  	s18 =	sor.u32 s17, s4  }
0x33: {  	s16 =	sor.u32 $0x20, s18  }
0x34: {  	p2 =	sgt.u32 s16, $0xF41  }
0x35: {  	p4 =	sgt.u32 s18, $0xF41;
	s19 =	sshll.u32 @!p2 s16, $0x8;
	s20 =	simm.s32 @!p2 $0x800  }
0x36: {  	s21 =	simm.s32 @!p2 $0x7A1400;
	s22 =	simm.s32 @!p2 $0x4000;
	s19 =	sadd.s32 @!p2 s0, s19  }
0x37: {  	[tilespmem:s22], [sflag:$0x2] =	stream.strided.gather @!p2 [hbm4b:s19+s20], $0x4000, s21, s20, $0x38;
	[tilespmem:$0x11000] =	vst v63  }
0x38: {  	s19 =	simm.s32 @!p4 $0x1  }
0x39: {  	_ =	swait.ge @!p4 [sflag:s19], $0x4000  }
.Ltmp4:
0x3a: {  	p3 =	seq.s32 s15, $0x0;
	[sflag:s19] =	ssyncset.done @!p4 $0x0;
	(pc) =	sbr.rel @p4 .LBB2_8-.Ltmp4, $4  }
0x3b: {  	[sflag:s19] =	ssyncadd.s32 @!p4 $0xFFFFC000;
	s19 =	simm.s32 @!p3 $0x3  }
0x3c: {  	_ =	swait.ge @!p3 [sflag:s19], $0x4000  }
0x3d: {  	[sflag:s19] =	ssyncset.done @!p3 $0x0  }
0x3e: {  	[sflag:s19] =	ssyncadd.s32 @!p3 $0xFFFFC000  }
0x3f: {  	s19 =	simm.s32 $0x1  }
0x40: {  	s20 =	simm.s32 $0x0;
	v8 =	vadd.s32 s19, v0  }
0x41: {  	v9 =	vadd.s32 s20, v0;
	v10 =	vand.u32 $0x7F, v8;
	v11 =	vshll.u32 v8, $0x3  }
0x42: {  	v12 =	vshll.u32 v9, $0x3;
	v13 =	vand.u32 $0xFF, v8;
	v11 =	vand.u32 $0x400, v11  }
0x43: {  	v14 =	vand.u32 $0x7F, v9;
	v12 =	vand.u32 $0x400, v12;
	v10 =	vor.u32 v10, v11  }
0x44: {  	v19 =	vshll.u32 v13, $0x6;
	v11 =	vor.u32 v14, v12;
	v12 =	vor.u32 v1, v10  }
0x45: {  	v8 =	vshll.u32 v8, $0x7;
	v20 =	vor.u32 v0, v19;
	v17 =	vor.u32 v6, v11  }
0x46: {  	v21 =	vor.u32 v3, v19;
	v15 =	vor.u32 v2, v10;
	v14 =	vor.u32 v1, v11  }
0x47: {  	v16 =	vor.u32 v2, v11;
	v18 =	vor.u32 v4, v11;
	v11 =	vand.u32 $0xFF, v9  }
0x48: {  	v23 =	vor.u32 v4, v10;
	v10 =	vor.u32 v6, v10;
	v11 =	vshll.u32 v11, $0x6  }
0x49: {  	v9 =	vshll.u32 v9, $0x7;
	v28 =	vand.u32 $0x4F, v20;
	v24 =	vor.u32 v7, v11;
	v13 =	vld.idx.msk [tilespmem:v12+s3+$0x0], $0xffff  }
0x4a: {  	v29 =	vand.u32 $0x5F, v21;
	v9 =	vand.u32 $0x7F00, v9;
	v25 =	vld.idx.msk [tilespmem:v17+s3+$0x0], $0xffff;
	v17 =	vand.u32 $0x7F, v24  }
0x4b: {  	v20 =	vand.u32 $0x7F00, v8;
	v22 =	vor.u32 v0, v11;
	v14 =	vld.idx.msk [tilespmem:v14+s3+$0x0], $0xffff;
	v26 =	vor.u32 v9, v17  }
0x4c: {  	v63 =	vor.u32 v5, v11;
	v27 =	vand.u32 $0x4F, v22;
	v12 =	vor.u32 v3, v11;
	v11 =	vld.idx.msk [tilespmem:v16+s3+$0x0], $0xffff  }
0x4d: {  	v24 =	vand.u32 $0x6F, v63;
	v8 =	vld.idx.msk [tilespmem:v15+s3+$0x0], $0xffff;
	v15 =	vor.u32 v20, v29;
	v17 =	vor.u32 v5, v19  }
0x4e: {  	v10 =	vld.idx.msk [tilespmem:v10+s3+$0x0], $0xffff;
	v16 =	vand.u32 $0x5F, v12;
	v19 =	vor.u32 v7, v19;
	v22 =	vand.u32 $0x6F, v17  }
0x4f: {  	v12 =	vld.idx.msk [tilespmem:v18+s3+$0x0], $0xffff;
	v21 =	vand.u32 $0x7F, v19;
	v19 =	vor.u32 v9, v27;
	v18 =	vor.u32 v9, v16  }
0x50: {  	s19 =	simm.s32 $0x0;
	s20 =	simm.s32 $0x3;
	v17 =	vor.u32 v9, v24;
	v9 =	vld.idx.msk [tilespmem:v23+s3+$0x0], $0xffff;
	v16 =	vor.u32 v20, v28;
	[tilespmem:v26+s12+$0x0] =	vst.idx.msk $0xffff, v25  }
.LBB2_4:
0x51: {  	s21 =	sadd.s32 $0xFFFFFFFF, s20;
	v23 =	vadd.s32 s20, v0;
	s19 =	sadd.s32 $0x8, s19;
	v22 =	vor.u32 v20, v22;
	v24 =	vor.u32 v20, v21;
	v20 =	vmovc v13  }
0x52: {  	v13 =	vadd.s32 s21, v0;
	v21 =	vand.u32 $0x7F, v23;
	v25 =	vshll.u32 v23, $0x3;
	p4 =	slt.u32 s19, $0x3F8  }
0x53: {  	v27 =	vand.u32 $0xFF, v23;
	v26 =	vshll.u32 v13, $0x3;
	v25 =	vand.u32 $0x400, v25  }
0x54: {  	v28 =	vand.u32 $0x7F, v13;
	v26 =	vand.u32 $0x400, v26;
	v21 =	vor.u32 v21, v25;
	[tilespmem:v19+s12+$0x0] =	vst.idx.msk $0xffff, v14  }
0x55: {  	v14 =	vor.u32 v28, v26;
	v19 =	vor.u32 v1, v21;
	v25 =	vor.u32 v2, v21  }
0x56: {  	v26 =	vor.u32 v1, v14;
	v28 =	vor.u32 v2, v14;
	v29 =	vor.u32 v6, v14  }
0x57: {  	v31 =	vor.u32 v4, v21;
	v32 =	vor.u32 v6, v21;
	v30 =	vor.u32 v4, v14  }
0x58: {  	v23 =	vshll.u32 v23, $0x7;
	v21 =	vshll.u32 v27, $0x6;
	v14 =	vand.u32 $0xFF, v13;
	[tilespmem:v18+s12+$0x0] =	vst.idx.msk $0xffff, v11  }
0x59: {  	v27 =	vor.u32 v3, v21;
	v11 =	vshll.u32 v14, $0x6;
	v18 =	vor.u32 v0, v21;
	[tilespmem:v17+s12+$0x0] =	vst.idx.msk $0xffff, v12  }
0x5a: {  	v14 =	vshll.u32 v13, $0x7;
	v12 =	vor.u32 v0, v11;
	v17 =	vor.u32 v7, v11;
	v13 =	vld.idx.msk [tilespmem:v19+s3+$0x0], $0xffff  }
0x5b: {  	v33 =	vand.u32 $0x7F00, v14;
	v19 =	vor.u32 v3, v11;
	v17 =	vand.u32 $0x7F, v17;
	v29 =	vld.idx.msk [tilespmem:v29+s3+$0x0], $0xffff;
	[tilespmem:v16+s12+$0x0] =	vst.idx.msk $0xffff, v20  }
0x5c: {  	v16 =	vor.u32 v5, v11;
	v14 =	vld.idx.msk [tilespmem:v26+s3+$0x0], $0xffff;
	v26 =	vor.u32 v33, v17;
	v17 =	vor.u32 v5, v21  }
.Ltmp5:
0x5d: {  	v34 =	vand.u32 $0x4F, v12;
	v11 =	vld.idx.msk [tilespmem:v28+s3+$0x0], $0xffff;
	v28 =	vand.u32 $0x5F, v19;
	v19 =	vor.u32 v7, v21;
	[tilespmem:v15+s12+$0x0] =	vst.idx.msk $0xffff, v8;
	(pc) =	sbr.rel @p4 .LBB2_4-.Ltmp5, $4  }
0x5e: {  	v27 =	vand.u32 $0x5F, v27;
	v15 =	vand.u32 $0x6F, v16;
	v16 =	vand.u32 $0x4F, v18;
	v12 =	vld.idx.msk [tilespmem:v30+s3+$0x0], $0xffff;
	[tilespmem:v22+s12+$0x0] =	vst.idx.msk $0xffff, v9  }
0x5f: {  	v20 =	vand.u32 $0x7F00, v23;
	v22 =	vand.u32 $0x6F, v17;
	v21 =	vand.u32 $0x7F, v19;
	v8 =	vld.idx.msk [tilespmem:v25+s3+$0x0], $0xffff;
	[tilespmem:v24+s12+$0x0] =	vst.idx.msk $0xffff, v10  }
0x60: {  	v19 =	vor.u32 v33, v34;
	v18 =	vor.u32 v33, v28;
	v17 =	vor.u32 v33, v15;
	v9 =	vld.idx.msk [tilespmem:v31+s3+$0x0], $0xffff  }
0x61: {  	s20 =	sadd.s32 $0x2, s20;
	v16 =	vor.u32 v20, v16;
	v15 =	vor.u32 v20, v27;
	[tilespmem:v26+s12+$0x0] =	vst.idx.msk $0xffff, v29;
	v10 =	vld.idx.msk [tilespmem:v32+s3+$0x0], $0xffff  }
0x62: {  	_ =	sdelay $0x3  }
0x63: {  	v22 =	vor.u32 v20, v22;
	[tilespmem:v19+s12+$0x0] =	vst.idx.msk $0xffff, v14  }
0x64: {  	v63 =	vor.u32 v20, v21;
	[tilespmem:v18+s12+$0x0] =	vst.idx.msk $0xffff, v11  }
0x65: {  	[tilespmem:v16+s12+$0x0] =	vst.idx.msk $0xffff, v13  }
0x66: {  	[tilespmem:v17+s12+$0x0] =	vst.idx.msk $0xffff, v12  }
0x67: {  	s18 =	sshll.u32 s18, $0xB;
	[tilespmem:v15+s12+$0x0] =	vst.idx.msk $0xffff, v8  }
0x68: {  	s19 =	simm.s32 $0x8000;
	s18 =	sadd.s32 s5, s18;
	[tilespmem:v22+s12+$0x0] =	vst.idx.msk $0xffff, v9  }
0x69: {  	s20 =	simm.s32 $0x10;
	s21 =	simm.s32 $0x8100;
	s22 =	sadd.s32 $0x0, s18;
	[tilespmem:v63+s12+$0x0] =	vst.idx.msk $0xffff, v10  }
.LBB2_6:
0x6a: {  	[hbm4b:s22+s3] =	stream.linear.scatter [tilespmem:s19], [sflag:$0x3], $0x80, $0x38;
	[tilespmem:$0x11000] =	vst v63  }
0x6b: {  	s22 =	smov.u32 s20;
	s19 =	smov.u32 s21;
	p4 =	sne.s32 s20, $0x7F0  }
.Ltmp6:
0x6c: {  	s20 =	sadd.s32 $0x10, s20;
	(pc) =	sbr.rel @p4 .LBB2_6-.Ltmp6, $2  }
0x6d: {  	_ =	sdelay $0x2  }
0x6e: {  	s21 =	sadd.s32 $0x100, s21;
	s22 =	sadd.s32 s22, s18  }
0x6f: {  	[hbm4b:s22+s3] =	stream.linear.scatter [tilespmem:s19], [sflag:$0x3], $0x80, $0x38;
	[tilespmem:$0x11000] =	vst v63  }
.LBB2_8:
0x70: {  	s17 =	sadd.s32 s8, s17  }
0x71: {  	p4 =	sgt.u32 s17, $0xF41  }
0x72: {  	s17 =	sshll.u32 @!p4 s17, $0x8;
	s18 =	simm.s32 @!p4 $0x800  }
0x73: {  	s19 =	simm.s32 @!p4 $0x7A1400;
	s20 =	simm.s32 @!p4 $0x0;
	s17 =	sadd.s32 @!p4 s0, s17  }
0x74: {  	[tilespmem:s20], [sflag:$0x1] =	stream.strided.gather @!p4 [hbm4b:s17+s18], $0x4000, s19, s18, $0x38;
	[tilespmem:$0x11000] =	vst v63  }
0x75: {  	s17 =	simm.s32 @!p2 $0x2  }
0x76: {  	_ =	swait.ge @!p2 [sflag:s17], $0x4000  }
.Ltmp7:
0x77: {  	[sflag:s17] =	ssyncset.done @!p2 $0x0;
	(pc) =	sbr.rel @p2 .LBB2_14-.Ltmp7, $4  }
0x78: {  	[sflag:s17] =	ssyncadd.s32 @!p2 $0xFFFFC000;
	s17 =	simm.s32 @!p3 $0x4  }
0x79: {  	_ =	swait.ge @!p3 [sflag:s17], $0x4000  }
0x7a: {  	[sflag:s17] =	ssyncset.done @!p3 $0x0  }
0x7b: {  	[sflag:s17] =	ssyncadd.s32 @!p3 $0xFFFFC000  }
0x7c: {  	s17 =	simm.s32 $0x1  }
0x7d: {  	s18 =	simm.s32 $0x0;
	v8 =	vadd.s32 s17, v0  }
0x7e: {  	v9 =	vadd.s32 s18, v0;
	v10 =	vand.u32 $0x7F, v8;
	v11 =	vshll.u32 v8, $0x3  }
0x7f: {  	v12 =	vshll.u32 v9, $0x3;
	v8 =	vand.u32 $0xFF, v8;
	v11 =	vand.u32 $0x400, v11  }
0x80: {  	v13 =	vand.u32 $0x7F, v9;
	v12 =	vand.u32 $0x400, v12;
	v10 =	vor.u32 v10, v11  }
0x81: {  	v9 =	vand.u32 $0xFF, v9;
	v11 =	vor.u32 v13, v12;
	v12 =	vor.u32 v1, v10  }
0x82: {  	v19 =	vshll.u32 v8, $0x6;
	v8 =	vshll.u32 v8, $0x7;
	v17 =	vor.u32 v6, v11  }
0x83: {  	v20 =	vor.u32 v0, v19;
	v21 =	vor.u32 v3, v19;
	v14 =	vor.u32 v1, v11  }
0x84: {  	v15 =	vor.u32 v2, v10;
	v16 =	vor.u32 v2, v11;
	v18 =	vor.u32 v4, v11  }
0x85: {  	v23 =	vor.u32 v4, v10;
	v10 =	vor.u32 v6, v10;
	v11 =	vshll.u32 v9, $0x6  }
0x86: {  	v9 =	vshll.u32 v9, $0x7;
	v28 =	vand.u32 $0x4F, v20;
	v24 =	vor.u32 v7, v11;
	v13 =	vld.idx.msk [tilespmem:v12+s13+$0x0], $0xffff  }
0x87: {  	v29 =	vand.u32 $0x5F, v21;
	v9 =	vor.u32 $0x80, v9;
	v25 =	vld.idx.msk [tilespmem:v17+s13+$0x0], $0xffff;
	v17 =	vand.u32 $0x7F, v24  }
0x88: {  	v20 =	vor.u32 $0x80, v8;
	v22 =	vor.u32 v0, v11;
	v14 =	vld.idx.msk [tilespmem:v14+s13+$0x0], $0xffff;
	v26 =	vor.u32 v9, v17  }
0x89: {  	v63 =	vor.u32 v5, v11;
	v27 =	vand.u32 $0x4F, v22;
	v12 =	vor.u32 v3, v11;
	v11 =	vld.idx.msk [tilespmem:v16+s13+$0x0], $0xffff  }
0x8a: {  	v24 =	vand.u32 $0x6F, v63;
	v8 =	vld.idx.msk [tilespmem:v15+s13+$0x0], $0xffff;
	v15 =	vor.u32 v20, v29;
	v17 =	vor.u32 v5, v19  }
0x8b: {  	v10 =	vld.idx.msk [tilespmem:v10+s13+$0x0], $0xffff;
	v16 =	vand.u32 $0x5F, v12;
	v19 =	vor.u32 v7, v19;
	v22 =	vand.u32 $0x6F, v17  }
0x8c: {  	v12 =	vld.idx.msk [tilespmem:v18+s13+$0x0], $0xffff;
	v21 =	vand.u32 $0x7F, v19;
	v19 =	vor.u32 v9, v27;
	v18 =	vor.u32 v9, v16  }
0x8d: {  	s17 =	simm.s32 $0x0;
	s18 =	simm.s32 $0x3;
	v17 =	vor.u32 v9, v24;
	v9 =	vld.idx.msk [tilespmem:v23+s13+$0x0], $0xffff;
	v16 =	vor.u32 v20, v28;
	[tilespmem:v26+s12+$0x0] =	vst.idx.msk $0xffff, v25  }
.LBB2_10:
0x8e: {  	s19 =	sadd.s32 $0xFFFFFFFF, s18;
	v23 =	vadd.s32 s18, v0;
	s17 =	sadd.s32 $0x8, s17;
	v22 =	vor.u32 v20, v22;
	v24 =	vor.u32 v20, v21;
	v20 =	vmovc v13  }
0x8f: {  	v13 =	vadd.s32 s19, v0;
	v21 =	vand.u32 $0x7F, v23;
	v25 =	vshll.u32 v23, $0x3;
	p2 =	slt.u32 s17, $0x3F8  }
0x90: {  	v23 =	vand.u32 $0xFF, v23;
	v26 =	vshll.u32 v13, $0x3;
	v25 =	vand.u32 $0x400, v25  }
0x91: {  	v27 =	vand.u32 $0x7F, v13;
	v26 =	vand.u32 $0x400, v26;
	v21 =	vor.u32 v21, v25;
	[tilespmem:v19+s12+$0x0] =	vst.idx.msk $0xffff, v14  }
0x92: {  	v14 =	vor.u32 v27, v26;
	v19 =	vor.u32 v1, v21;
	v25 =	vor.u32 v2, v21  }
0x93: {  	v26 =	vor.u32 v1, v14;
	v27 =	vor.u32 v2, v14;
	v28 =	vor.u32 v6, v14  }
0x94: {  	v30 =	vor.u32 v4, v21;
	v31 =	vor.u32 v6, v21;
	v29 =	vor.u32 v4, v14  }
0x95: {  	v13 =	vand.u32 $0xFF, v13;
	v21 =	vshll.u32 v23, $0x6;
	v23 =	vshll.u32 v23, $0x7;
	[tilespmem:v18+s12+$0x0] =	vst.idx.msk $0xffff, v11  }
0x96: {  	v32 =	vor.u32 v3, v21;
	v11 =	vshll.u32 v13, $0x6;
	v18 =	vor.u32 v0, v21;
	[tilespmem:v17+s12+$0x0] =	vst.idx.msk $0xffff, v12  }
0x97: {  	v14 =	vshll.u32 v13, $0x7;
	v12 =	vor.u32 v0, v11;
	v17 =	vor.u32 v7, v11;
	v13 =	vld.idx.msk [tilespmem:v19+s13+$0x0], $0xffff  }
0x98: {  	v33 =	vor.u32 $0x80, v14;
	v19 =	vor.u32 v3, v11;
	v17 =	vand.u32 $0x7F, v17;
	v28 =	vld.idx.msk [tilespmem:v28+s13+$0x0], $0xffff;
	[tilespmem:v16+s12+$0x0] =	vst.idx.msk $0xffff, v20  }
0x99: {  	v16 =	vor.u32 v5, v11;
	v14 =	vld.idx.msk [tilespmem:v26+s13+$0x0], $0xffff;
	v26 =	vor.u32 v33, v17;
	v17 =	vor.u32 v5, v21  }
.Ltmp8:
0x9a: {  	v34 =	vand.u32 $0x4F, v12;
	v11 =	vld.idx.msk [tilespmem:v27+s13+$0x0], $0xffff;
	v27 =	vand.u32 $0x5F, v19;
	v19 =	vor.u32 v7, v21;
	[tilespmem:v15+s12+$0x0] =	vst.idx.msk $0xffff, v8;
	(pc) =	sbr.rel @p2 .LBB2_10-.Ltmp8, $4  }
0x9b: {  	v15 =	vand.u32 $0x6F, v16;
	v16 =	vand.u32 $0x4F, v18;
	v12 =	vld.idx.msk [tilespmem:v29+s13+$0x0], $0xffff;
	v29 =	vand.u32 $0x5F, v32;
	[tilespmem:v22+s12+$0x0] =	vst.idx.msk $0xffff, v9  }
0x9c: {  	v20 =	vor.u32 $0x80, v23;
	v22 =	vand.u32 $0x6F, v17;
	v21 =	vand.u32 $0x7F, v19;
	v8 =	vld.idx.msk [tilespmem:v25+s13+$0x0], $0xffff;
	[tilespmem:v24+s12+$0x0] =	vst.idx.msk $0xffff, v10  }
0x9d: {  	v19 =	vor.u32 v33, v34;
	v18 =	vor.u32 v33, v27;
	v17 =	vor.u32 v33, v15;
	v9 =	vld.idx.msk [tilespmem:v30+s13+$0x0], $0xffff  }
0x9e: {  	s18 =	sadd.s32 $0x2, s18;
	v16 =	vor.u32 v20, v16;
	v15 =	vor.u32 v20, v29;
	[tilespmem:v26+s12+$0x0] =	vst.idx.msk $0xffff, v28;
	v10 =	vld.idx.msk [tilespmem:v31+s13+$0x0], $0xffff  }
0x9f: {  	_ =	sdelay $0x3  }
0xa0: {  	v22 =	vor.u32 v20, v22;
	[tilespmem:v19+s12+$0x0] =	vst.idx.msk $0xffff, v14  }
0xa1: {  	v63 =	vor.u32 v20, v21;
	[tilespmem:v18+s12+$0x0] =	vst.idx.msk $0xffff, v11  }
0xa2: {  	[tilespmem:v16+s12+$0x0] =	vst.idx.msk $0xffff, v13  }
0xa3: {  	[tilespmem:v17+s12+$0x0] =	vst.idx.msk $0xffff, v12  }
0xa4: {  	s16 =	sshll.u32 s16, $0xB;
	[tilespmem:v15+s12+$0x0] =	vst.idx.msk $0xffff, v8  }
0xa5: {  	s17 =	simm.s32 $0x8080;
	s16 =	sadd.s32 s5, s16;
	[tilespmem:v22+s12+$0x0] =	vst.idx.msk $0xffff, v9  }
0xa6: {  	s18 =	simm.s32 $0x10;
	s19 =	simm.s32 $0x8180;
	s20 =	sadd.s32 $0x0, s16;
	[tilespmem:v63+s12+$0x0] =	vst.idx.msk $0xffff, v10  }
.LBB2_12:
0xa7: {  	[hbm4b:s20+s3] =	stream.linear.scatter [tilespmem:s17], [sflag:$0x4], $0x80, $0x38;
	[tilespmem:$0x11000] =	vst v63  }
0xa8: {  	s20 =	smov.u32 s18;
	s17 =	smov.u32 s19;
	p2 =	sne.s32 s18, $0x7F0  }
.Ltmp9:
0xa9: {  	s18 =	sadd.s32 $0x10, s18;
	(pc) =	sbr.rel @p2 .LBB2_12-.Ltmp9, $2  }
0xaa: {  	_ =	sdelay $0x2  }
0xab: {  	s19 =	sadd.s32 $0x100, s19;
	s20 =	sadd.s32 s20, s16  }
.Ltmp10:
0xac: {  	(pc) =	sbr.rel .LBB2_14-.Ltmp10, $2  }
0xad: {  	_ =	sdelay $0x2  }
0xae: {  	[hbm4b:s20+s3] =	stream.linear.scatter [tilespmem:s17], [sflag:$0x4], $0x80, $0x38;
	[tilespmem:$0x11000] =	vst v63  }
.LBB2_16:
0xaf: {  	_ =	sfence.sel $0x180000  }
0xb0: {  	[bflag:$0x0] =	sbarrier.arrive $0xFFFF  }
0xb1: {  	_ =	strace $0x90000047  }
0xb2: {  	s0 =	sadd.s32 @!p0 $0x100000, s2;
	[bflag:$0x2] =	sbarrier.arrive $0xFFFF  }
0xb3: {  	[sflag:s0] =	ssyncadd.tile.s32 @!p0 $0x1;
	_ =	shalt  }
.Lfunc_end2:
_tile_overlayer_lowered:
.L_overlay_start_2:
0xb4: {  	(tag) =	ssettag $0x2  }
0xb5: {  	s0 =	rddreg [dreg:$0x0];
	s2 =	stileid.u32  }
0xb6: {  	s1 =	rddreg [dreg:$0x1];
	p0 =	sne.s32 s2, $0x0  }
0xb7: {  	s3 =	rddreg [dreg:$0x2];
	[bflag:$0x3] =	sbarrier.arrive $0xFFFF;
	s2 =	simm.s32 @!p0 $0x1C05  }
0xb8: {  	[timem:s3], [sflag:s2] =	dma.local @!p0 [hbm:s0], s1  }
0xb9: {  	s0 =	simm.s32 @!p0 $0x5  }
0xba: {  	_ =	swait.ge @!p0 [sflag:s0], s1  }
0xbb: {  	s1 =	ssub.s32 @!p0 $0x0, s1;
	[sflag:s0] =	ssyncset.done @!p0 $0x0  }
0xbc: {  	[sflag:s0] =	ssyncadd.s32 @!p0 s1  }
0xbd: {  	[bflag:$0x3] =	sbarrier.arrive $0xFFFF  }
0xbe: {  	_ =	shalt  }

// kernel: kernel.7.cloned.1.call-start
scs
__scs_entry_jumppad:
0x0: {  	(pc) =	sbr.rel $0x88, $3  }
0x1: {  	(tag) =	ssettag $0x0;
	lr =	simm.s32 $0x1  }
0x2: {  	[smem:$0x3F9F] =	sst lr;
	_ =	strace $0xD0000000  }
0x3: {  	_ = 	snop  }
0x4: {  	_ = 	snop  }
0x5: {  	_ = 	snop  }
0x6: {  	_ = 	snop  }
0x7: {  	_ = 	snop  }
__scs_overlays_trampoline_lowered:
0x8: {  	[smem:$0x3FAE] =	sst s0  }
0x9: {  	[smem:$0x3FAF] =	sst s1  }
0xa: {  	[smem:$0x3FB0] =	sst s2  }
0xb: {  	[smem:$0x3FB1] =	sst s3  }
0xc: {  	[smem:$0x3FB2] =	sst s4  }
0xd: {  	[smem:$0x3FB3] =	sst s5  }
0xe: {  	[smem:$0x3FB4] =	sst s6  }
0xf: {  	[smem:$0x3FB5] =	sst s7  }
0x10: {  	[smem:$0x3FB6] =	sst s8  }
0x11: {  	[smem:$0x3FB7] =	sst s9;
	s0 =	simm.s32 @!p0 $0x0  }
0x12: {  	s1 =	sld [smem:$0x3F9D];
	s0 =	simm.s32 @p0 $0x1  }
0x13: {  	[smem:$0x3FB8] =	sst s0;
	s0 =	simm.s32 @!p1 $0x0  }
0x14: {  	s2 =	sld [smem:$0x3F9C];
	s0 =	simm.s32 @p1 $0x1  }
0x15: {  	[smem:$0x3FB9] =	sst s0;
	s0 =	simm.s32 @!p2 $0x0  }
0x16: {  	s3 =	sld [smem:$0x3FDB];
	s0 =	simm.s32 @p2 $0x1  }
0x17: {  	s4 =	simm.s32 $0x1BF5;
	[smem:$0x3FBB] =	sst s0  }
0x18: {  	s0 =	sld [smem:$0x3F9E];
	_ =	swait.ge [sflag:s4], $0x0  }
0x19: {  	s7 =	sld [smem:$0x3F9F]  }
0x1a: {  	s8 =	sadd.s32 $0xFFFFE003, lr  }
0x1b: {  	s9 =	sadd.s32 $0xFFFFFEF7, lr;
	s5 =	simm.s32 $0xFFFFFFFF;
	p2 =	slt.u32 s8, $0xFFFFF086  }
0x1c: {  	p1 =	slt.u32 s9, $0xF7A;
	s5 =	simm.s32 @!p2 $0x0  }
0x1d: {  	s5 =	simm.s32 @p1 $0x1;
	p0 =	seq.s32 s7, s2  }
0x1e: {  	s7 =	smul.u32 @!p0 $0xF7A, s2;
	p2 =	seq.s32 @!p0 s5, $0x0  }
0x1f: {  	s9 =	smul.u32 $0xF7A, s1;
	s8 =	simm.s32 @!p0 $0x1BF5;
	p2 =	por !p2, p0  }
0x20: {  	[sflag:s8] =	ssyncset.s32 @!p0 $0xFFFFF086;
	s6 =	sadd.s32 @!p0 s3, s7;
	s7 =	simm.s32 @!p0 $0x108  }
0x21: {  	s3 =	sadd.s32 s3, s9;
	s6 =	sadd.s32 @!p0 $0x88, s6;
	s7 =	simm.s32 @p2 $0x1082  }
0x22: {  	[simem:s7], [sflag:s8] =	dma.local @!p0 [hbm:s6], $0xF7A  }
0x23: {  	s9 =	sor.u32 $0xD0000000, s2;
	s6 =	simm.s32 $0x108;
	_ =	swait.ge @!p0 [sflag:s8], $0x0  }
0x24: {  	s3 =	sadd.s32 $0x88, s3;
	s6 =	simm.s32 @!p1 $0x1082;
	[sflag:s4] =	ssyncset.s32 $0xFFFFF086  }
0x25: {  	[simem:s6], [sflag:s4] =	dma.local [hbm:s3], $0xF7A  }
0x26: {  	[smem:$0x3F9F] =	sst s1;
	(tag) =	ssettag s2;
	_ =	strace s9  }
0x27: {  	s1 =	sld [smem:$0x3FAF]  }
0x28: {  	s2 =	sld [smem:$0x3FB0]  }
0x29: {  	s4 =	sld [smem:$0x3FB2]  }
0x2a: {  	p0 =	seq.s32 s5, $0x0;
	s5 =	sld [smem:$0x3FB3]  }
0x2b: {  	s6 =	sld [smem:$0x3FB4]  }
0x2c: {  	s7 =	sld [smem:$0x3FB5]  }
0x2d: {  	s3 =	simm.s32 $0x108;
	s8 =	sld [smem:$0x3FB6]  }
0x2e: {  	s3 =	simm.s32 @!p0 $0x1082;
	s9 =	sld [smem:$0x3FB7]  }
0x2f: {  	lr =	sadd.s32 s0, s3;
	s0 =	sld [smem:$0x3FAE]  }
0x30: {  	s3 =	sld [smem:$0x3FB1]  }
0x31: {  	[smem:$0x3FBA] =	sst s10  }
0x32: {  	s10 =	sld [smem:$0x3FB8];
	_ =	sdelay $0x3  }
0x33: {  	p0 =	seq.s32 s10, $0x1;
	s10 =	sld [smem:$0x3FBA];
	_ =	sdelay $0x3  }
0x34: {  	[smem:$0x3FBA] =	sst s10  }
0x35: {  	s10 =	sld [smem:$0x3FB9];
	_ =	sdelay $0x3  }
0x36: {  	p1 =	seq.s32 s10, $0x1;
	s10 =	sld [smem:$0x3FBA];
	_ =	sdelay $0x3  }
0x37: {  	[smem:$0x3FBA] =	sst s10  }
0x38: {  	s10 =	sld [smem:$0x3FBB]  }
0x39: {  	_ = 	snop;
	(pc) =	sbr.ind lr, $3  }
0x3a: {  	_ = 	snop  }
0x3b: {  	_ = 	snop  }
0x3c: {  	p2 =	seq.s32 s10, $0x1;
	s10 =	sld [smem:$0x3FBA]  }
0x3d: {  	_ =	shalt  }
0x3e: {  	_ =	shalt  }
0x3f: {  	_ =	shalt  }
0x40: {  	_ =	shalt  }
0x41: {  	_ =	shalt  }
0x42: {  	_ =	shalt  }
0x43: {  	_ =	shalt  }
0x44: {  	_ =	shalt  }
0x45: {  	_ =	shalt  }
0x46: {  	_ =	shalt  }
0x47: {  	_ =	shalt  }
0x48: {  	_ =	shalt  }
0x49: {  	_ =	shalt  }
0x4a: {  	_ =	shalt  }
0x4b: {  	_ =	shalt  }
0x4c: {  	_ =	shalt  }
0x4d: {  	_ =	shalt  }
0x4e: {  	_ =	shalt  }
0x4f: {  	_ =	shalt  }
0x50: {  	_ =	shalt  }
0x51: {  	_ =	shalt  }
0x52: {  	_ =	shalt  }
0x53: {  	_ =	shalt  }
0x54: {  	_ =	shalt  }
0x55: {  	_ =	shalt  }
0x56: {  	_ =	shalt  }
0x57: {  	_ =	shalt  }
0x58: {  	_ =	shalt  }
0x59: {  	_ =	shalt  }
0x5a: {  	_ =	shalt  }
0x5b: {  	_ =	shalt  }
0x5c: {  	_ =	shalt  }
0x5d: {  	_ =	shalt  }
0x5e: {  	_ =	shalt  }
0x5f: {  	_ =	shalt  }
0x60: {  	_ =	shalt  }
0x61: {  	_ =	shalt  }
0x62: {  	_ =	shalt  }
0x63: {  	_ =	shalt  }
0x64: {  	_ =	shalt  }
0x65: {  	_ =	shalt  }
0x66: {  	_ =	shalt  }
0x67: {  	_ =	shalt  }
0x68: {  	_ =	shalt  }
0x69: {  	_ =	shalt  }
0x6a: {  	_ =	shalt  }
0x6b: {  	_ =	shalt  }
0x6c: {  	_ =	shalt  }
0x6d: {  	_ =	shalt  }
0x6e: {  	_ =	shalt  }
0x6f: {  	_ =	shalt  }
0x70: {  	_ =	shalt  }
0x71: {  	_ =	shalt  }
0x72: {  	_ =	shalt  }
0x73: {  	_ =	shalt  }
0x74: {  	_ =	shalt  }
0x75: {  	_ =	shalt  }
0x76: {  	_ =	shalt  }
0x77: {  	_ =	shalt  }
0x78: {  	_ =	shalt  }
0x79: {  	_ =	shalt  }
0x7a: {  	_ =	shalt  }
0x7b: {  	_ =	shalt  }
0x7c: {  	_ =	shalt  }
0x7d: {  	_ =	shalt  }
0x7e: {  	_ =	shalt  }
0x7f: {  	_ =	shalt  }
0x80: {  	_ =	shalt  }
0x81: {  	_ =	shalt  }
0x82: {  	_ =	shalt  }
0x83: {  	_ =	shalt  }
0x84: {  	_ =	shalt  }
0x85: {  	_ =	shalt  }
0x86: {  	_ =	shalt  }
0x87: {  	_ =	shalt  }
.Lfunc_end0:
.L_simem_size_0:
called_computation.1_lowered:
.L_overlay_start_0:
0x88: {  	s2 =	sld [smem:$0x3FD9]  }
0x89: {  	s3 =	sld [smem:$0x3FFE];
	_ =	sdelay $0x1  }
0x8a: {  	s1 =	srdreg.scid  }
0x8b: {  	s0 =	sand.u32 $0x1, s1  }
0x8c: {  	s17 =	sshll.u32 s0, $0xA;
	s2 =	sadd.s32 s3, s2  }
0x8d: {  	s2 =	sadd.s32 s2, s17  }
0x8e: {  	[smem:$0x3FC6] =	sst s2  }
0x8f: {  	_ = 	snop  }
0x90: {  	s2 =	sld [smem:$0x3FD0];
	(tm) =	ssettm $0x1  }
0x91: {  	s18 =	sld [smem:$0x3FFB];
	_ =	sdelay $0x3  }
0x92: {  	_ =	strace s18  }
0x93: {  	s3 =	sld [smem:$0x3FFC];
	_ =	sdelay $0x3  }
0x94: {  	_ =	strace s3  }
0x95: {  	s3 =	sld [smem:$0x3FFD];
	_ =	sdelay $0x3  }
0x96: {  	_ =	strace s3  }
0x97: {  	_ =	strace $0x8FFFFFFF  }
0x98: {  	s19 =	sld [smem:$0x3FDB];
	_ =	sdelay $0x1  }
0x99: {  	s4 =	simm.s32 $_scs_section_size  }
0x9a: {  	s5 =	simm.s32 $_size__tile_overlayer_lowered;
	s6 =	simm.s32 $_tile_overlayer_lowered  }
0x9b: {  	s22 =	simm.s32 $0x1BFF;
	s21 =	sshll.u32 s6, $0x1;
	s3 =	sadd.s32 s4, s19  }
0x9c: {  	s7 =	simm.s32 $0x0;
	s20 =	sshll.u32 s5, $0x1;
	s5 =	sadd.s32 s21, s3  }
0x9d: {  	[timem:s7], [sflag:s22] =	dma.local [hbm:s5], s20  }
0x9e: {  	_ =	swait.ge [sflag:s22], s20  }
0x9f: {  	s4 =	ssub.s32 $0x0, s20;
	[sflag:s22] =	ssyncset.done $0x0  }
0xa0: {  	[sflag:s22] =	ssyncadd.s32 s4;
	_ =	sdelay $0x1  }
0xa1: {  	s23 =	simm.s32 $0x1B8B  }
0xa2: {  	_ =	swait.ge [sflag:s23], $0x1  }
0xa3: {  	[sflag:s23] =	ssyncset.done $0x0  }
0xa4: {  	s25 =	simm.s32 $0x1B8E;
	s24 =	sld [smem:$0x3FFE];
	[sflag:s23] =	ssyncadd.s32 $0xFFFFFFFF  }
0xa5: {  	s26 =	simm.s32 $execute0_lowered;
	[smem:$0x3FD2] =	sst s25  }
0xa6: {  	s5 =	sshll.u32 s26, $0x1;
	_ =	strace $0x80000049;
	[dreg:$0x1] =	wrdreg $0xFFFFFFFF  }
0xa7: {  	s28 =	simm.s32 $_size_execute0_lowered;
	s3 =	sadd.s32 s3, s5;
	[dreg:$0x0] =	wrdreg $0x0  }
0xa8: {  	s5 =	sshll.u32 s28, $0x1;
	[dreg:$0x2] =	wrdreg s3  }
0xa9: {  	[dreg:$0x3] =	wrdreg s5  }
0xaa: {  	[dreg:$0x4] =	wrdreg $0xC0  }
0xab: {  	_ =	task [dreg:s7], $0x5FFFF  }
0xac: {  	[dreg:$0x1] =	wrdreg $0xFFFFFFFF  }
0xad: {  	[dreg:$0x0] =	wrdreg $0x60  }
0xae: {  	[dreg:$0x2] =	wrdreg s24  }
0xaf: {  	[dreg:$0x3] =	wrdreg s2  }
0xb0: {  	[dreg:$0x4] =	wrdreg $0x9  }
0xb1: {  	_ =	task.clear_ibuf [dreg:s7], $0x5FFFF;
	_ =	strace $0x90000049  }
0xb2: {  	s29 =	simm.s32 $0x9;
	_ =	strace $0x8000004B  }
0xb3: {  	_ =	swait.ge [sflag:s29], $0x1  }
0xb4: {  	[sflag:s29] =	ssyncadd.s32 $0xFFFFFFFF  }
0xb5: {  	_ =	strace $0x9000004B  }
0xb6: {  	_ =	sfence  }
0xb7: {  	s30 =	sld [smem:$0x0];
	_ =	sdelay $0x2  }
0xb8: {  	s31 =	sshll.u32 s1, $0xD;
	s1 =	sshrl.u32 s1, $0x2  }
0xb9: {  	s3 =	sand.u32 $0x4000, s31;
	s1 =	sadd.s32 s1, s30  }
0xba: {  	s0 =	sor.u32 s3, s0;
	s1 =	sshll.u32 s1, $0x11  }
0xbb: {  	s0 =	sor.u32 s1, s0  }
0xbc: {  	s0 =	sadd.s32 $0x8F2B, s0  }
0xbd: {  	[sflag:s0] =	ssyncadd.remote.s32 $0x1  }
0xbe: {  	_ =	sfence.sel $0xFFFF  }
0xbf: {  	[dreg:$0x0] =	wrdreg $0xFFFFFFFF;
	(pc) =	sbr.abs _section_cstart, $3  }
0xc0: {  	[dreg:$0x1] =	wrdreg $0xFFFFFFFF  }
0xc1: {  	_ =	task.clear_ibuf [dreg:s7], $0x2FFFF;
	_ =	strace $0x9FFFFFFF  }
0xc2: {  	(tm) =	ssettm $0x7FFFFFFF  }
0xc3: {  	_ =	shalt  }
tec
execute0_lowered:
.L_overlay_start_1:
0x0: {  	(tag) =	ssettag $0x1  }
0x1: {  	s4 =	rddreg [dreg:$0x0];
	s1 =	srdreg.scid  }
0x2: {  	s0 =	stileid.u32;
	s2 =	rddreg [dreg:$0x1];
	s3 =	simm.s32 $0x0  }
0x3: {  	s9 =	simm.s32 $0x80;
	s10 =	simm.s32 $0x3400;
	s11 =	simm.s32 $0xB400  }
0x4: {  	s12 =	simm.s32 $0x400;
	s13 =	simm.s32 $0x20000;
	s14 =	simm.s32 $0x5  }
0x5: {  	s15 =	simm.s32 $0x6;
	s16 =	simm.s32 $0x7;
	s17 =	simm.s32 $0x8  }
0x6: {  	s18 =	simm.s32 $0x0;
	s5 =	sand.u32 $0x1, s1;
	s6 =	sshll.u32 s0, $0x1  }
.Ltmp0:
0x7: {  	s6 =	sor.u32 s5, s6;
	s5 =	ssub.s32 $0x2, s5;
	(pc) =	sbr.rel .LBB2_1-.Ltmp0, $4  }
0x8: {  	v0 =	vlaneseq.u32;
	[smem:$0x7FF] =	sst s3;
	s7 =	smul.u32 $0x680, s6;
	s8 =	sshrl.u32 s5, $0x1  }
0x9: {  	s1 =	rddreg [dreg:$0x2];
	v1 =	vmul.u32 $0x80, v0;
	_ =	strace $0x8000004A;
	s8 =	ssub.s32 s5, s8  }
0xa: {  	v5 =	vor.u32 $0x10, v0;
	v6 =	vor.u32 $0x20, v0;
	v7 =	vor.u32 $0x30, v0;
	s5 =	smul.u32 $0x68, s6;
	s7 =	sadd.s32 s7, s4;
	s4 =	sadd.s32 $0xA00, s4  }
0xb: {  	v2 =	vor.u32 $0x800, v1;
	v3 =	vor.u32 $0x1000, v1;
	v4 =	vor.u32 $0x1800, v1;
	s6 =	sadd.s32 $0x7A1C00, s7;
	s7 =	smax.u32 s8, $0x1;
	s8 =	simm.s32 $0x9  }
.LBB2_10:
0xc: {  	_ =	swait.ge [sflag:s14], $0x2000  }
0xd: {  	[sflag:s14] =	ssyncset.done $0x0  }
0xe: {  	[sflag:s14] =	ssyncadd.s32 $0xFFFFE000  }
0xf: {  	_ =	swait.ge [sflag:s15], $0x2000  }
0x10: {  	[sflag:s15] =	ssyncset.done $0x0  }
0x11: {  	s18 =	sadd.s32 $0x1, s18;
	[sflag:s15] =	ssyncadd.s32 $0xFFFFE000  }
0x12: {  	p0 =	sne.s32 s18, s7;
	_ =	swait.ge [sflag:s16], $0x2000  }
.Ltmp1:
0x13: {  	[sflag:s16] =	ssyncset.done $0x0;
	(pc) =	sbr.rel @!p0 .LBB2_11-.Ltmp1, $4  }
0x14: {  	[sflag:s16] =	ssyncadd.s32 $0xFFFFE000  }
0x15: {  	_ =	swait.ge [sflag:s17], $0x2000  }
0x16: {  	[sflag:s17] =	ssyncset.done $0x0  }
0x17: {  	[sflag:s17] =	ssyncadd.s32 $0xFFFFE000  }
.LBB2_1:
.Ltmp2:
0x18: {  	(pc) =	sbr.rel .LBB2_2-.Ltmp2, $4  }
0x19: {  	[tilespmem:s3], [sflag:$0x9] =	stream.linear.gather [hbm4b:s6+s3], $0x3400, $0x38;
	[tilespmem:$0x13400] =	vst v63  }
0x1a: {  	_ =	swait.ge [sflag:s8], $0x3400  }
0x1b: {  	[sflag:s8] =	ssyncset.done $0x0  }
0x1c: {  	s19 =	simm.s32 $0x0;
	[sflag:s8] =	ssyncadd.s32 $0xFFFFCC00  }
.LBB2_9:
0x1d: {  	s19 =	sadd.s32 $0x1, s19  }
0x1e: {  	p0 =	sne.s32 s19, $0x6A  }
.Ltmp3:
0x1f: {  	_ = 	snop;
	(pc) =	sbr.rel @!p0 .LBB2_10-.Ltmp3, $1  }
0x20: {  	_ =	sdelay $0x3  }
.LBB2_2:
0x21: {  	p0 =	sgt.u32 s19, $0x67  }
.Ltmp4:
0x22: {  	_ = 	snop;
	(pc) =	sbr.rel @p0 .LBB2_6-.Ltmp4, $1  }
0x23: {  	_ =	sdelay $0x3  }
0x24: {  	p0 =	slt.u32 s19, $0x4  }
.Ltmp5:
0x25: {  	_ = 	snop;
	(pc) =	sbr.rel @p0 .LBB2_5-.Ltmp5, $2  }
0x26: {  	_ =	sdelay $0x2  }
0x27: {  	s20 =	sand.u32 $0x3, s19  }
.Ltmp6:
0x28: {  	s21 =	sadd.s32 $0x5, s20;
	(pc) =	sbr.rel .LBB2_6-.Ltmp6, $4  }
0x29: {  	s30 =	sshll.u32 s20, $0xD;
	_ =	swait.ge [sflag:s21], $0x2000  }
0x2a: {  	s22 =	sshll.u32 s19, $0x7;
	s31 =	sadd.s32 $0x1, s20;
	[sflag:s21] =	ssyncset.done $0x0  }
0x2b: {  	s22 =	sand.u32 $0x3FFFFF80, s22;
	[sflag:s21] =	ssyncadd.s32 $0xFFFFE000;
	s21 =	sadd.s32 $0x3400, s30  }
0x2c: {  	[tilespmem:s21], [sflag:s31] =	stream.indirect.gather [hbm4b:s4+s9], $0x40, s22, s9, $0xb8;
	[tilespmem:$0x13400] =	vst v63  }
.LBB2_5:
0x2d: {  	p0 =	slt.u32 s19, $0x2  }
.Ltmp7:
0x2e: {  	_ = 	snop;
	(pc) =	sbr.rel @p0 .LBB2_9-.Ltmp7, $4  }
0x2f: {  	s21 =	sshll.u32 s19, $0xD  }
0x30: {  	s22 =	sshll.u32 s19, $0x7;
	s21 =	sand.u32 $0x3FFFE000, s21  }
0x31: {  	s20 =	sadd.s32 $0x1, s20;
	s22 =	sand.u32 $0x3FFFFF80, s22;
	s21 =	sadd.s32 $0x3400, s21  }
0x32: {  	[tilespmem:s21], [sflag:s20] =	stream.indirect.gather [hbm4b:s4+s9], $0x40, s22, s9, $0xb8;
	[tilespmem:$0x13400] =	vst v63  }
.LBB2_6:
0x33: {  	s22 =	sadd.s32 $0xFFFFFFFE, s19;
	s21 =	simm.s32 $0x0  }
0x34: {  	s23 =	simm.s32 $0x1;
	s20 =	sand.u32 $0x3, s22;
	v13 =	vadd.s32 s21, v0  }
0x35: {  	v14 =	vadd.s32 s23, v0;
	s21 =	sshll.u32 s20, $0xD;
	v8 =	vshll.u32 v13, $0x6  }
0x36: {  	v9 =	vshll.u32 v14, $0x6;
	v12 =	vmov s21;
	v8 =	vand.u32 $0x1FC0, v8  }
0x37: {  	v9 =	vand.u32 $0x1FC0, v9;
	v16 =	vor.u32 v12, v8  }
0x38: {  	s23 =	simm.s32 $0x3;
	v14 =	vand.u32 $0x7F, v14;
	v17 =	vor.u32 v12, v9;
	v19 =	vor.u32 v0, v16  }
0x39: {  	s31 =	sadd.s32 $0x1, s20;
	v27 =	vand.u32 $0x7F, v13;
	v28 =	vadd.s32 s23, v0;
	v23 =	vor.u32 v7, v17  }
0x3a: {  	v11 =	vor.u32 s21, v2;
	_ =	swait.ge [sflag:s31], $0x2000;
	v10 =	vor.u32 s21, v4;
	v25 =	vor.u32 v5, v16  }
0x3b: {  	v32 =	vshll.u32 v28, $0x6;
	v8 =	vor.u32 s21, v1;
	[sflag:s31] =	ssyncset.done $0x0;
	v26 =	vor.u32 v6, v17  }
0x3c: {  	v9 =	vor.u32 s21, v3;
	v18 =	vor.u32 v11, v14;
	[sflag:s31] =	ssyncadd.s32 $0xFFFFE000;
	v30 =	vor.u32 v5, v17  }
0x3d: {  	v22 =	vor.u32 v11, v27;
	v33 =	vor.u32 v7, v16;
	v20 =	vor.u32 v0, v17;
	v17 =	vld.idx.msk [tilespmem:v19+s10+$0x0], $0xffff  }
0x3e: {  	s24 =	simm.s32 $0x2;
	v29 =	vor.u32 v10, v14;
	v34 =	vand.u32 $0x1FC0, v32;
	v15 =	vor.u32 v6, v16;
	v24 =	vld.idx.msk [tilespmem:v23+s10+$0x0], $0xffff  }
0x3f: {  	v13 =	vor.u32 v8, v14;
	v16 =	vor.u32 v9, v27;
	v23 =	vadd.s32 s24, v0;
	v25 =	vld.idx.msk [tilespmem:v25+s10+$0x0], $0xffff  }
0x40: {  	v21 =	vor.u32 v9, v14;
	v14 =	vand.u32 $0x7F, v28;
	v28 =	vld.idx.msk [tilespmem:v26+s10+$0x0], $0xffff;
	v31 =	vshll.u32 v23, $0x6  }
0x41: {  	v19 =	vor.u32 v10, v27;
	v26 =	vld.idx.msk [tilespmem:v30+s10+$0x0], $0xffff;
	v30 =	vor.u32 v12, v34;
	v31 =	vand.u32 $0x1FC0, v31  }
0x42: {  	s24 =	simm.s32 $0x8;
	v23 =	vand.u32 $0x7F, v23;
	v32 =	vor.u32 v12, v31;
	v31 =	vor.u32 v8, v27;
	v27 =	vld.idx.msk [tilespmem:v33+s10+$0x0], $0xffff  }
.LBB2_7:
0x43: {  	v33 =	vor.u32 v0, v32  }
0x44: {  	s24 =	sadd.s32 $0x8, s24;
	v34 =	vor.u32 v5, v32;
	v35 =	vor.u32 v7, v30;
	v36 =	vld.idx.msk [tilespmem:v20+s10+$0x0], $0xffff;
	v37 =	vmovc v19;
	v38 =	vmov v23  }
0x45: {  	v39 =	vor.u32 v7, v32;
	p0 =	slt.u32 s24, $0x1F8;
	v23 =	vld.idx.msk [tilespmem:v15+s10+$0x0], $0xffff;
	v15 =	vor.u32 v6, v32;
	[tilespmem:v29+s11+$0x0] =	vst.idx.msk $0xffff, v24  }
0x46: {  	v40 =	vor.u32 v6, v30;
	v32 =	vor.u32 v11, v14;
	[tilespmem:v22+s11+$0x0] =	vst.idx.msk $0xffff, v25  }
0x47: {  	v20 =	vor.u32 v0, v30;
	v30 =	vor.u32 v5, v30;
	[tilespmem:v21+s11+$0x0] =	vst.idx.msk $0xffff, v28  }
0x48: {  	v41 =	vor.u32 v8, v14;
	[tilespmem:v31+s11+$0x0] =	vst.idx.msk $0xffff, v17  }
0x49: {  	s23 =	sadd.s32 $0x2, s23;
	v19 =	vor.u32 v10, v38;
	v31 =	vor.u32 v9, v38;
	v17 =	vld.idx.msk [tilespmem:v33+s10+$0x0], $0xffff;
	[tilespmem:v18+s11+$0x0] =	vst.idx.msk $0xffff, v26  }
.Ltmp8:
0x4a: {  	s25 =	sadd.s32 $0xFFFFFFFF, s23;
	v22 =	vor.u32 v11, v38;
	v21 =	vor.u32 v9, v14;
	v24 =	vld.idx.msk [tilespmem:v35+s10+$0x0], $0xffff;
	[tilespmem:v37+s11+$0x0] =	vst.idx.msk $0xffff, v27;
	(pc) =	sbr.rel @p0 .LBB2_7-.Ltmp8, $4  }
0x4b: {  	v29 =	vor.u32 v10, v14;
	v26 =	vadd.s32 s25, v0;
	v33 =	vadd.s32 s23, v0;
	v25 =	vld.idx.msk [tilespmem:v34+s10+$0x0], $0xffff;
	[tilespmem:v16+s11+$0x0] =	vst.idx.msk $0xffff, v23  }
0x4c: {  	v18 =	vmovc v32;
	v27 =	vshll.u32 v33, $0x6;
	v14 =	vand.u32 $0x7F, v33;
	v34 =	vshll.u32 v26, $0x6;
	v28 =	vld.idx.msk [tilespmem:v40+s10+$0x0], $0xffff;
	[tilespmem:v13+s11+$0x0] =	vst.idx.msk $0xffff, v36  }
0x4d: {  	v23 =	vand.u32 $0x7F, v26;
	v27 =	vand.u32 $0x1FC0, v27;
	v16 =	vmovc v31;
	v32 =	vand.u32 $0x1FC0, v34;
	v13 =	vmovc v41;
	v26 =	vld.idx.msk [tilespmem:v30+s10+$0x0], $0xffff  }
0x4e: {  	v31 =	vor.u32 v8, v38;
	v32 =	vor.u32 v12, v32;
	v30 =	vor.u32 v12, v27;
	v27 =	vld.idx.msk [tilespmem:v39+s10+$0x0], $0xffff  }
0x4f: {  	_ =	sdelay $0x1  }
0x50: {  	v12 =	vor.u32 v7, v30  }
0x51: {  	v33 =	vor.u32 v5, v32  }
0x52: {  	[tilespmem:v29+s11+$0x0] =	vst.idx.msk $0xffff, v24;
	v44 =	vor.u32 v6, v30  }
0x53: {  	v45 =	vor.u32 v0, v32;
	v15 =	vld.idx.msk [tilespmem:v15+s10+$0x0], $0xffff;
	[tilespmem:v31+s11+$0x0] =	vst.idx.msk $0xffff, v17  }
0x54: {  	v20 =	vld.idx.msk [tilespmem:v20+s10+$0x0], $0xffff;
	v46 =	vor.u32 v5, v30;
	[tilespmem:v22+s11+$0x0] =	vst.idx.msk $0xffff, v25  }
0x55: {  	v47 =	vor.u32 v7, v32;
	v48 =	vor.u32 v10, v14;
	[tilespmem:v21+s11+$0x0] =	vst.idx.msk $0xffff, v28;
	v12 =	vld.idx.msk [tilespmem:v12+s10+$0x0], $0xffff  }
0x56: {  	v49 =	vor.u32 v6, v32;
	v50 =	vor.u32 v11, v23;
	[tilespmem:v18+s11+$0x0] =	vst.idx.msk $0xffff, v26;
	v51 =	vld.idx.msk [tilespmem:v33+s10+$0x0], $0xffff  }
0x57: {  	v52 =	vor.u32 v0, v30;
	v53 =	vor.u32 v9, v14;
	s22 =	sadd.s32 s5, s22;
	[tilespmem:v19+s11+$0x0] =	vst.idx.msk $0xffff, v27;
	v54 =	vld.idx.msk [tilespmem:v44+s10+$0x0], $0xffff  }
0x58: {  	v56 =	vor.u32 v8, v23;
	s23 =	sand.u32 $0x7F, s22;
	v55 =	vld.idx.msk [tilespmem:v45+s10+$0x0], $0xffff;
	[tilespmem:v16+s11+$0x0] =	vst.idx.msk $0xffff, v15  }
0x59: {  	v57 =	vor.u32 v11, v14;
	p0 =	slt.s32 s22, $0x1;
	p1 =	sne.s32 s23, $0x0;
	[tilespmem:v13+s11+$0x0] =	vst.idx.msk $0xffff, v20;
	v58 =	vld.idx.msk [tilespmem:v46+s10+$0x0], $0xffff  }
0x5a: {  	v59 =	vor.u32 v10, v23;
	p0 =	por !p0, !p1;
	v60 =	vld.idx.msk [tilespmem:v47+s10+$0x0], $0xffff;
	[tilespmem:v48+s11+$0x0] =	vst.idx.msk $0xffff, v12  }
0x5b: {  	v61 =	vor.u32 v9, v23;
	s24 =	simm.s32 $0x1;
	p0 =	por !p0, !p0;
	v62 =	vld.idx.msk [tilespmem:v49+s10+$0x0], $0xffff;
	[tilespmem:v50+s11+$0x0] =	vst.idx.msk $0xffff, v51  }
0x5c: {  	v8 =	vor.u32 v8, v14;
	s22 =	sshrl.u32 s22, $0x7;
	v63 =	vld.idx.msk [tilespmem:v52+s10+$0x0], $0xffff;
	s24 =	simm.s32 @!p0 $0x0;
	[tilespmem:v53+s11+$0x0] =	vst.idx.msk $0xffff, v54  }
0x5d: {  	s22 =	ssub.s32 s22, s24;
	[tilespmem:v56+s11+$0x0] =	vst.idx.msk $0xffff, v55  }
.Ltmp9:
0x5e: {  	s23 =	sshll.u32 s23, $0xA;
	s22 =	sshll.u32 s22, $0x14;
	[tilespmem:v57+s11+$0x0] =	vst.idx.msk $0xffff, v58;
	(pc) =	sbr.rel .LBB2_9-.Ltmp9, $4  }
0x5f: {  	s22 =	sor.u32 s23, s22;
	[tilespmem:v59+s11+$0x0] =	vst.idx.msk $0xffff, v60  }
0x60: {  	s22 =	sshrl.u32 s22, $0x3;
	[tilespmem:v61+s11+$0x0] =	vst.idx.msk $0xffff, v62  }
0x61: {  	s20 =	sadd.s32 $0x5, s20;
	s21 =	sadd.s32 $0xB400, s21;
	[tilespmem:v8+s11+$0x0] =	vst.idx.msk $0xffff, v63;
	s22 =	sadd.s32 s2, s22  }
0x62: {  	[hbm4b:s22+s12] =	stream.strided.scatter [tilespmem:s21], [sflag:s20], $0x2000, s13, s12, $0x38;
	[tilespmem:$0x13400] =	vst v63  }
.LBB2_11:
0x63: {  	_ =	sfence.sel $0x180000  }
0x64: {  	[bflag:$0x0] =	sbarrier.arrive $0xFFFF  }
0x65: {  	p0 =	sne.s32 s0, $0x0;
	_ =	strace $0x9000004A  }
0x66: {  	s0 =	sadd.s32 @!p0 $0x100000, s1;
	[bflag:$0x2] =	sbarrier.arrive $0xFFFF  }
0x67: {  	[sflag:s0] =	ssyncadd.tile.s32 @!p0 $0x1;
	_ =	shalt  }
.Lfunc_end2:
_tile_overlayer_lowered:
.L_overlay_start_2:
0x68: {  	(tag) =	ssettag $0x2  }
0x69: {  	s0 =	rddreg [dreg:$0x0];
	s2 =	stileid.u32  }
0x6a: {  	s1 =	rddreg [dreg:$0x1];
	p0 =	sne.s32 s2, $0x0  }
0x6b: {  	s3 =	rddreg [dreg:$0x2];
	[bflag:$0x3] =	sbarrier.arrive $0xFFFF;
	s2 =	simm.s32 @!p0 $0x1C09  }
0x6c: {  	[timem:s3], [sflag:s2] =	dma.local @!p0 [hbm:s0], s1  }
0x6d: {  	s0 =	simm.s32 @!p0 $0x9  }
0x6e: {  	_ =	swait.ge @!p0 [sflag:s0], s1  }
0x6f: {  	s1 =	ssub.s32 @!p0 $0x0, s1;
	[sflag:s0] =	ssyncset.done @!p0 $0x0  }
0x70: {  	[sflag:s0] =	ssyncadd.s32 @!p0 s1  }
0x71: {  	[bflag:$0x3] =	sbarrier.arrive $0xFFFF  }
0x72: {  	_ =	shalt  }

</sc_bundles>
